<compile_context>
chip_gen: v7x
topology: tpu7x:2x2x1
jax: 0.10.2.dev20260603
libtpu: 0.0.44.dev20260713+nightly
codegen_flags: <defaults>
</compile_context>

<pallas_src>
import functools

import jax
import jax.numpy as jnp
from jax import lax
from jax.experimental import pallas as pl
from jax.experimental.pallas import tpu as pltpu
from jax.experimental.pallas import tpu_sc as plsc

NUM_EMB = 1_000_000
DIM = 64
BATCH = 16384
HIST = 50
TOTAL = BATCH * HIST

NUM_CORES = 2
NUM_SUBCORES = 16
NW = NUM_CORES * NUM_SUBCORES
PER_W = TOTAL // NW
CH = 128
NSLAB = PER_W // CH

NBUF = 8
LOOK = NBUF // 2

_mesh = plsc.VectorSubcoreMesh(core_axis_name="c", subcore_axis_name="s")


@functools.partial(
    pl.kernel,
    mesh=_mesh,
    out_type=jax.ShapeDtypeStruct((TOTAL, DIM), jnp.float32),
    scratch_types=[
        pltpu.VMEM((NSLAB, CH), jnp.int32),
        pltpu.VMEM((NBUF, CH, DIM), jnp.float32),
        pltpu.SemaphoreType.DMA((NBUF,)),
        pltpu.SemaphoreType.DMA((NBUF,)),
    ],
    compiler_params=pltpu.CompilerParams(use_tc_tiling_on_sc=False),
)
def _gather_rows(ids_hbm, table_hbm, out_hbm, idx_v, rows_v, gsem, ssem):
    wid = lax.axis_index("s") * NUM_CORES + lax.axis_index("c")
    w_base = wid * PER_W

    pltpu.sync_copy(ids_hbm.at[wid], idx_v)

    def fire_gather(s, b):
        pltpu.async_copy(table_hbm.at[idx_v.at[s]], rows_v.at[b], gsem.at[b])

    def drain_gather(s, b):
        pltpu.make_async_copy(
            table_hbm.at[idx_v.at[s]], rows_v.at[b], gsem.at[b]).wait()

    def fire_store(s, b):
        pltpu.async_copy(
            rows_v.at[b], out_hbm.at[pl.ds(w_base + s * CH, CH)], ssem.at[b])

    def wait_store(s, b):
        pltpu.make_async_copy(
            rows_v.at[b], out_hbm.at[pl.ds(w_base + s * CH, CH)], ssem.at[b]).wait()

    for s in range(LOOK):
        fire_gather(s, s)

    for s in range(LOOK):
        drain_gather(s, s)
        fire_store(s, s)
        fire_gather(s + LOOK, (s + LOOK) % NBUF)

    def outer(t, carry):
        for j in range(NBUF):
            s = t * NBUF + j + LOOK
            b = (j + LOOK) % NBUF
            drain_gather(s, b)
            fire_store(s, b)
            wait_store(s - (NBUF - LOOK), j)
            fire_gather(s + LOOK, j)
        return carry

    lax.fori_loop(0, (NSLAB - 2 * LOOK) // NBUF, outer, 0)

    for s in range(NSLAB - LOOK, NSLAB):
        drain_gather(s, s % NBUF)
        fire_store(s, s % NBUF)

    for j in range(NBUF):
        wait_store(NSLAB - NBUF + j, j)


def kernel(input_ids, table):
    ids = input_ids.reshape(NW, NSLAB, CH).astype(jnp.int32)
    out = _gather_rows(ids, table)
    return out.reshape(BATCH, HIST, DIM)

# --- scband reference (transcript-rebuilt; emitter-appended) ---
"""Pipeline reference for scband-vocab-parallel-embedding-9672266350848 (READ-ONLY COPY).

The authoritative reference and input builder live on the scoring server;
editing this copy changes nothing except your own understanding.
"""

import jax, jax.numpy as jnp
import numpy as np

NUM_EMBEDDINGS = 1000000
EMBEDDING_DIM = 64
BATCH = 16384
HIST = 50


def setup_inputs(seed: int = 0) -> dict:
    key = jax.random.key(seed)
    k_idx, k_tab = jax.random.split(key)
    input_ids = jax.random.randint(k_idx, (BATCH, HIST), 0, NUM_EMBEDDINGS, dtype=jnp.int64 if jax.config.jax_enable_x64 else jnp.int32)
    table = jax.random.normal(k_tab, (NUM_EMBEDDINGS, EMBEDDING_DIM), dtype=jnp.float32)
    return {"input_ids": input_ids, "table": table}


def reference(input_ids, table):
    # nn.Embedding forward: gather rows of the embedding table by index
    return jnp.take(table, input_ids, axis=0)

if __name__ == "__main__":
    import jax
    _d = setup_inputs()
    print(jax.jit(kernel)(*tuple(_d.values())))

</pallas_src>

<mosaic_0001>
#map = affine_map<(d0, d1) -> (0, 0, 0)>
#map1 = affine_map<(d0, d1) -> (0, 0)>
module attributes {stable_mosaic.version = 14 : i64} {
  func.func @_gather_rows(%arg0: i32, %arg1: i32, %arg2: memref<32x200x128xi32, #tpu.memory_space<hbm>>, %arg3: memref<1000000x64xf32, #tpu.memory_space<hbm>>, %arg4: memref<819200x64xf32, #tpu.memory_space<hbm>>, %arg5: memref<200x128xi32, #tpu.memory_space<vmem>>, %arg6: memref<8x128x64xf32, #tpu.memory_space<vmem>>, %arg7: memref<8x!tpu.dma_semaphore, #tpu.memory_space<semaphore_mem>>, %arg8: memref<8x!tpu.dma_semaphore, #tpu.memory_space<semaphore_mem>>) attributes {dimension_semantics = [#tpu.dimension_semantics<core_parallel>, #tpu.dimension_semantics<subcore_parallel>], iteration_bounds = array<i64: 2, 16>, scalar_prefetch = 0 : i64, scratch_operands = 4 : i64, tpu.core_type = #tpu.core_type<sc_vector_subcore>, window_params = [{transform_indices = #map}, {transform_indices = #map1}, {transform_indices = #map1}]} {
    %mul3A = arith.constant 2 : i32
    %mul3A_0 = arith.muli %arg1, %mul3A : i32
    %add3A = arith.addi %mul3A_0, %arg0 : i32
    %mul3A_1 = arith.constant 25600 : i32
    %mul3A_2 = arith.muli %add3A, %mul3A_1 : i32
    "tpu.region"() ({
      %run_scoped3A = tpu.sem_alloc : memref<!tpu.dma_semaphore, #tpu.memory_space<semaphore_mem>>
      %dma_start3A_534 = arith.constant 0 : i32
      %dma_start3A_535 = arith.constant 0 : i32
      %dma_start3A_536 = tpu.memref_slice %arg2[%add3A, %dma_start3A_534, %dma_start3A_535] : memref<32x200x128xi32, #tpu.memory_space<hbm>> -> memref<1x200x128xi32, #tpu.memory_space<hbm>>
      %dma_start3A_537 = tpu.memref_squeeze %dma_start3A_536 : memref<1x200x128xi32, #tpu.memory_space<hbm>> -> memref<200x128xi32, #tpu.memory_space<hbm>>
      %dma_start3A_538 = arith.constant 0 : i32
      %dma_start3A_539 = arith.constant 0 : i32
      %dma_start3A_540 = tpu.memref_slice %arg2[%add3A, %dma_start3A_538, %dma_start3A_539] : memref<32x200x128xi32, #tpu.memory_space<hbm>> -> memref<1x200x128xi32, #tpu.memory_space<hbm>>
      %dma_start3A_541 = tpu.memref_squeeze %dma_start3A_540 : memref<1x200x128xi32, #tpu.memory_space<hbm>> -> memref<200x128xi32, #tpu.memory_space<hbm>>
      tpu.enqueue_dma source(%dma_start3A_541 : memref<200x128xi32, #tpu.memory_space<hbm>>) target(%arg5 : memref<200x128xi32, #tpu.memory_space<vmem>>) target_semaphore(%run_scoped3A : memref<!tpu.dma_semaphore, #tpu.memory_space<semaphore_mem>>)
      %dma_wait3A_542 = arith.constant 0 : i32
      %dma_wait3A_543 = arith.constant 0 : i32
      %dma_wait3A_544 = tpu.memref_slice %arg2[%add3A, %dma_wait3A_542, %dma_wait3A_543] : memref<32x200x128xi32, #tpu.memory_space<hbm>> -> memref<1x200x128xi32, #tpu.memory_space<hbm>>
      %dma_wait3A_545 = tpu.memref_squeeze %dma_wait3A_544 : memref<1x200x128xi32, #tpu.memory_space<hbm>> -> memref<200x128xi32, #tpu.memory_space<hbm>>
      %dma_wait3A_546 = arith.constant 0 : i32
      %dma_wait3A_547 = arith.constant 0 : i32
      %dma_wait3A_548 = tpu.memref_slice %arg2[%add3A, %dma_wait3A_546, %dma_wait3A_547] : memref<32x200x128xi32, #tpu.memory_space<hbm>> -> memref<1x200x128xi32, #tpu.memory_space<hbm>>
      %dma_wait3A_549 = tpu.memref_squeeze %dma_wait3A_548 : memref<1x200x128xi32, #tpu.memory_space<hbm>> -> memref<200x128xi32, #tpu.memory_space<hbm>>
      tpu.wait_dma2 semaphore(%run_scoped3A : memref<!tpu.dma_semaphore, #tpu.memory_space<semaphore_mem>>) src(%dma_wait3A_549 : memref<200x128xi32, #tpu.memory_space<hbm>>) dst(%arg5 : memref<200x128xi32, #tpu.memory_space<vmem>>)
      tpu.yield
    }) : () -> ()
    %dma_start3A = arith.constant 0 : i32
    %dma_start3A_3 = arith.constant 0 : i32
    %dma_start3A_4 = arith.constant 0 : i32
    %dma_start3A_5 = arith.constant 0 : i32
    %dma_start3A_6 = arith.constant 0 : i32
    %dma_start3A_7 = tpu.memref_slice %arg6[%dma_start3A_3, %dma_start3A_5, %dma_start3A_6] : memref<8x128x64xf32, #tpu.memory_space<vmem>> -> memref<1x128x64xf32, #tpu.memory_space<vmem>>
    %dma_start3A_8 = tpu.memref_squeeze %dma_start3A_7 : memref<1x128x64xf32, #tpu.memory_space<vmem>> -> memref<128x64xf32, #tpu.memory_space<vmem>>
    %dma_start3A_9 = arith.constant 0 : i32
    %dma_start3A_10 = tpu.memref_slice %arg5[%dma_start3A, %dma_start3A_9] : memref<200x128xi32, #tpu.memory_space<vmem>> -> memref<1x128xi32, #tpu.memory_space<vmem>>
    %dma_start3A_11 = tpu.memref_squeeze %dma_start3A_10 : memref<1x128xi32, #tpu.memory_space<vmem>> -> memref<128xi32, #tpu.memory_space<vmem>>
    %dma_start3A_12 = arith.constant 0 : i32
    %dma_start3A_13 = arith.constant 0 : i32
    %dma_start3A_14 = tpu.memref_slice %arg3[%dma_start3A_12, %dma_start3A_13] : memref<1000000x64xf32, #tpu.memory_space<hbm>> -> memref<1000000x64xf32, #tpu.memory_space<hbm>>
    %dma_start3A_15 = tpu.memref_slice %arg7[%dma_start3A_4] : memref<8x!tpu.dma_semaphore, #tpu.memory_space<semaphore_mem>> -> memref<1x!tpu.dma_semaphore, #tpu.memory_space<semaphore_mem>>
    %dma_start3A_16 = tpu.memref_squeeze %dma_start3A_15 : memref<1x!tpu.dma_semaphore, #tpu.memory_space<semaphore_mem>> -> memref<!tpu.dma_semaphore, #tpu.memory_space<semaphore_mem>>
    tpu.enqueue_indirect_dma source(%dma_start3A_14 : memref<1000000x64xf32, #tpu.memory_space<hbm>>) target(%dma_start3A_8 : memref<128x64xf32, #tpu.memory_space<vmem>>) offsets(%dma_start3A_11 : memref<128xi32, #tpu.memory_space<vmem>>) semaphore(%dma_start3A_16 : memref<!tpu.dma_semaphore, #tpu.memory_space<semaphore_mem>>)
    %dma_start3A_17 = arith.constant 1 : i32
    %dma_start3A_18 = arith.constant 1 : i32
    %dma_start3A_19 = arith.constant 1 : i32
    %dma_start3A_20 = arith.constant 0 : i32
    %dma_start3A_21 = arith.constant 0 : i32
    %dma_start3A_22 = tpu.memref_slice %arg6[%dma_start3A_18, %dma_start3A_20, %dma_start3A_21] : memref<8x128x64xf32, #tpu.memory_space<vmem>> -> memref<1x128x64xf32, #tpu.memory_space<vmem>>
    %dma_start3A_23 = tpu.memref_squeeze %dma_start3A_22 : memref<1x128x64xf32, #tpu.memory_space<vmem>> -> memref<128x64xf32, #tpu.memory_space<vmem>>
    %dma_start3A_24 = arith.constant 0 : i32
    %dma_start3A_25 = tpu.memref_slice %arg5[%dma_start3A_17, %dma_start3A_24] : memref<200x128xi32, #tpu.memory_space<vmem>> -> memref<1x128xi32, #tpu.memory_space<vmem>>
    %dma_start3A_26 = tpu.memref_squeeze %dma_start3A_25 : memref<1x128xi32, #tpu.memory_space<vmem>> -> memref<128xi32, #tpu.memory_space<vmem>>
    %dma_start3A_27 = arith.constant 0 : i32
    %dma_start3A_28 = arith.constant 0 : i32
    %dma_start3A_29 = tpu.memref_slice %arg3[%dma_start3A_27, %dma_start3A_28] : memref<1000000x64xf32, #tpu.memory_space<hbm>> -> memref<1000000x64xf32, #tpu.memory_space<hbm>>
    %dma_start3A_30 = tpu.memref_slice %arg7[%dma_start3A_19] : memref<8x!tpu.dma_semaphore, #tpu.memory_space<semaphore_mem>> -> memref<1x!tpu.dma_semaphore, #tpu.memory_space<semaphore_mem>>
    %dma_start3A_31 = tpu.memref_squeeze %dma_start3A_30 : memref<1x!tpu.dma_semaphore, #tpu.memory_space<semaphore_mem>> -> memref<!tpu.dma_semaphore, #tpu.memory_space<semaphore_mem>>
    tpu.enqueue_indirect_dma source(%dma_start3A_29 : memref<1000000x64xf32, #tpu.memory_space<hbm>>) target(%dma_start3A_23 : memref<128x64xf32, #tpu.memory_space<vmem>>) offsets(%dma_start3A_26 : memref<128xi32, #tpu.memory_space<vmem>>) semaphore(%dma_start3A_31 : memref<!tpu.dma_semaphore, #tpu.memory_space<semaphore_mem>>)
    %dma_start3A_32 = arith.constant 2 : i32
    %dma_start3A_33 = arith.constant 2 : i32
    %dma_start3A_34 = arith.constant 2 : i32
    %dma_start3A_35 = arith.constant 0 : i32
    %dma_start3A_36 = arith.constant 0 : i32
    %dma_start3A_37 = tpu.memref_slice %arg6[%dma_start3A_33, %dma_start3A_35, %dma_start3A_36] : memref<8x128x64xf32, #tpu.memory_space<vmem>> -> memref<1x128x64xf32, #tpu.memory_space<vmem>>
    %dma_start3A_38 = tpu.memref_squeeze %dma_start3A_37 : memref<1x128x64xf32, #tpu.memory_space<vmem>> -> memref<128x64xf32, #tpu.memory_space<vmem>>
    %dma_start3A_39 = arith.constant 0 : i32
    %dma_start3A_40 = tpu.memref_slice %arg5[%dma_start3A_32, %dma_start3A_39] : memref<200x128xi32, #tpu.memory_space<vmem>> -> memref<1x128xi32, #tpu.memory_space<vmem>>
    %dma_start3A_41 = tpu.memref_squeeze %dma_start3A_40 : memref<1x128xi32, #tpu.memory_space<vmem>> -> memref<128xi32, #tpu.memory_space<vmem>>
    %dma_start3A_42 = arith.constant 0 : i32
    %dma_start3A_43 = arith.constant 0 : i32
    %dma_start3A_44 = tpu.memref_slice %arg3[%dma_start3A_42, %dma_start3A_43] : memref<1000000x64xf32, #tpu.memory_space<hbm>> -> memref<1000000x64xf32, #tpu.memory_space<hbm>>
    %dma_start3A_45 = tpu.memref_slice %arg7[%dma_start3A_34] : memref<8x!tpu.dma_semaphore, #tpu.memory_space<semaphore_mem>> -> memref<1x!tpu.dma_semaphore, #tpu.memory_space<semaphore_mem>>
    %dma_start3A_46 = tpu.memref_squeeze %dma_start3A_45 : memref<1x!tpu.dma_semaphore, #tpu.memory_space<semaphore_mem>> -> memref<!tpu.dma_semaphore, #tpu.memory_space<semaphore_mem>>
    tpu.enqueue_indirect_dma source(%dma_start3A_44 : memref<1000000x64xf32, #tpu.memory_space<hbm>>) target(%dma_start3A_38 : memref<128x64xf32, #tpu.memory_space<vmem>>) offsets(%dma_start3A_41 : memref<128xi32, #tpu.memory_space<vmem>>) semaphore(%dma_start3A_46 : memref<!tpu.dma_semaphore, #tpu.memory_space<semaphore_mem>>)
    %dma_start3A_47 = arith.constant 3 : i32
    %dma_start3A_48 = arith.constant 3 : i32
    %dma_start3A_49 = arith.constant 3 : i32
    %dma_start3A_50 = arith.constant 0 : i32
    %dma_start3A_51 = arith.constant 0 : i32
    %dma_start3A_52 = tpu.memref_slice %arg6[%dma_start3A_48, %dma_start3A_50, %dma_start3A_51] : memref<8x128x64xf32, #tpu.memory_space<vmem>> -> memref<1x128x64xf32, #tpu.memory_space<vmem>>
    %dma_start3A_53 = tpu.memref_squeeze %dma_start3A_52 : memref<1x128x64xf32, #tpu.memory_space<vmem>> -> memref<128x64xf32, #tpu.memory_space<vmem>>
    %dma_start3A_54 = arith.constant 0 : i32
    %dma_start3A_55 = tpu.memref_slice %arg5[%dma_start3A_47, %dma_start3A_54] : memref<200x128xi32, #tpu.memory_space<vmem>> -> memref<1x128xi32, #tpu.memory_space<vmem>>
    %dma_start3A_56 = tpu.memref_squeeze %dma_start3A_55 : memref<1x128xi32, #tpu.memory_space<vmem>> -> memref<128xi32, #tpu.memory_space<vmem>>
    %dma_start3A_57 = arith.constant 0 : i32
    %dma_start3A_58 = arith.constant 0 : i32
    %dma_start3A_59 = tpu.memref_slice %arg3[%dma_start3A_57, %dma_start3A_58] : memref<1000000x64xf32, #tpu.memory_space<hbm>> -> memref<1000000x64xf32, #tpu.memory_space<hbm>>
    %dma_start3A_60 = tpu.memref_slice %arg7[%dma_start3A_49] : memref<8x!tpu.dma_semaphore, #tpu.memory_space<semaphore_mem>> -> memref<1x!tpu.dma_semaphore, #tpu.memory_space<semaphore_mem>>
    %dma_start3A_61 = tpu.memref_squeeze %dma_start3A_60 : memref<1x!tpu.dma_semaphore, #tpu.memory_space<semaphore_mem>> -> memref<!tpu.dma_semaphore, #tpu.memory_space<semaphore_mem>>
    tpu.enqueue_indirect_dma source(%dma_start3A_59 : memref<1000000x64xf32, #tpu.memory_space<hbm>>) target(%dma_start3A_53 : memref<128x64xf32, #tpu.memory_space<vmem>>) offsets(%dma_start3A_56 : memref<128xi32, #tpu.memory_space<vmem>>) semaphore(%dma_start3A_61 : memref<!tpu.dma_semaphore, #tpu.memory_space<semaphore_mem>>)
    %dma_wait3A = arith.constant 0 : i32
    %dma_wait3A_62 = arith.constant 0 : i32
    %dma_wait3A_63 = arith.constant 0 : i32
    %dma_wait3A_64 = arith.constant 0 : i32
    %dma_wait3A_65 = arith.constant 0 : i32
    %dma_wait3A_66 = tpu.memref_slice %arg6[%dma_wait3A_62, %dma_wait3A_64, %dma_wait3A_65] : memref<8x128x64xf32, #tpu.memory_space<vmem>> -> memref<1x128x64xf32, #tpu.memory_space<vmem>>
    %dma_wait3A_67 = tpu.memref_squeeze %dma_wait3A_66 : memref<1x128x64xf32, #tpu.memory_space<vmem>> -> memref<128x64xf32, #tpu.memory_space<vmem>>
    %dma_wait3A_68 = arith.constant 0 : i32
    %dma_wait3A_69 = tpu.memref_slice %arg5[%dma_wait3A, %dma_wait3A_68] : memref<200x128xi32, #tpu.memory_space<vmem>> -> memref<1x128xi32, #tpu.memory_space<vmem>>
    %dma_wait3A_70 = tpu.memref_squeeze %dma_wait3A_69 : memref<1x128xi32, #tpu.memory_space<vmem>> -> memref<128xi32, #tpu.memory_space<vmem>>
    %dma_wait3A_71 = arith.constant 0 : i32
    %dma_wait3A_72 = arith.constant 0 : i32
    %dma_wait3A_73 = tpu.memref_slice %arg3[%dma_wait3A_71, %dma_wait3A_72] : memref<1000000x64xf32, #tpu.memory_space<hbm>> -> memref<1000000x64xf32, #tpu.memory_space<hbm>>
    %dma_wait3A_74 = tpu.memref_slice %arg7[%dma_wait3A_63] : memref<8x!tpu.dma_semaphore, #tpu.memory_space<semaphore_mem>> -> memref<1x!tpu.dma_semaphore, #tpu.memory_space<semaphore_mem>>
    %dma_wait3A_75 = tpu.memref_squeeze %dma_wait3A_74 : memref<1x!tpu.dma_semaphore, #tpu.memory_space<semaphore_mem>> -> memref<!tpu.dma_semaphore, #tpu.memory_space<semaphore_mem>>
    tpu.wait_indirect_dma semaphore(%dma_wait3A_75 : memref<!tpu.dma_semaphore, #tpu.memory_space<semaphore_mem>>) src(%dma_wait3A_73 : memref<1000000x64xf32, #tpu.memory_space<hbm>>) dst(%dma_wait3A_67 : memref<128x64xf32, #tpu.memory_space<vmem>>)
    %add3A_76 = arith.constant 0 : i32
    %add3A_77 = arith.addi %mul3A_2, %add3A_76 : i32
    %dma_start3A_78 = arith.constant 0 : i32
    %dma_start3A_79 = arith.constant 0 : i32
    %dma_start3A_80 = arith.constant 0 : i32
    %dma_start3A_81 = arith.constant 0 : i32
    %dma_start3A_82 = tpu.memref_slice %arg6[%dma_start3A_78, %dma_start3A_80, %dma_start3A_81] : memref<8x128x64xf32, #tpu.memory_space<vmem>> -> memref<1x128x64xf32, #tpu.memory_space<vmem>>
    %dma_start3A_83 = tpu.memref_squeeze %dma_start3A_82 : memref<1x128x64xf32, #tpu.memory_space<vmem>> -> memref<128x64xf32, #tpu.memory_space<vmem>>
    %dma_start3A_84 = arith.constant 0 : i32
    %dma_start3A_85 = tpu.memref_slice %arg4[%add3A_77, %dma_start3A_84] : memref<819200x64xf32, #tpu.memory_space<hbm>> -> memref<128x64xf32, #tpu.memory_space<hbm>>
    %dma_start3A_86 = tpu.memref_slice %arg8[%dma_start3A_79] : memref<8x!tpu.dma_semaphore, #tpu.memory_space<semaphore_mem>> -> memref<1x!tpu.dma_semaphore, #tpu.memory_space<semaphore_mem>>
    %dma_start3A_87 = tpu.memref_squeeze %dma_start3A_86 : memref<1x!tpu.dma_semaphore, #tpu.memory_space<semaphore_mem>> -> memref<!tpu.dma_semaphore, #tpu.memory_space<semaphore_mem>>
    %dma_start3A_88 = arith.constant 0 : i32
    %dma_start3A_89 = tpu.memref_slice %arg4[%add3A_77, %dma_start3A_88] : memref<819200x64xf32, #tpu.memory_space<hbm>> -> memref<128x64xf32, #tpu.memory_space<hbm>>
    %dma_start3A_90 = arith.constant 0 : i32
    %dma_start3A_91 = arith.constant 0 : i32
    %dma_start3A_92 = tpu.memref_slice %arg6[%dma_start3A_78, %dma_start3A_90, %dma_start3A_91] : memref<8x128x64xf32, #tpu.memory_space<vmem>> -> memref<1x128x64xf32, #tpu.memory_space<vmem>>
    %dma_start3A_93 = tpu.memref_squeeze %dma_start3A_92 : memref<1x128x64xf32, #tpu.memory_space<vmem>> -> memref<128x64xf32, #tpu.memory_space<vmem>>
    tpu.enqueue_dma source(%dma_start3A_93 : memref<128x64xf32, #tpu.memory_space<vmem>>) target(%dma_start3A_89 : memref<128x64xf32, #tpu.memory_space<hbm>>) target_semaphore(%dma_start3A_87 : memref<!tpu.dma_semaphore, #tpu.memory_space<semaphore_mem>>)
    %dma_start3A_94 = arith.constant 4 : i32
    %dma_start3A_95 = arith.constant 4 : i32
    %dma_start3A_96 = arith.constant 4 : i32
    %dma_start3A_97 = arith.constant 0 : i32
    %dma_start3A_98 = arith.constant 0 : i32
    %dma_start3A_99 = tpu.memref_slice %arg6[%dma_start3A_95, %dma_start3A_97, %dma_start3A_98] : memref<8x128x64xf32, #tpu.memory_space<vmem>> -> memref<1x128x64xf32, #tpu.memory_space<vmem>>
    %dma_start3A_100 = tpu.memref_squeeze %dma_start3A_99 : memref<1x128x64xf32, #tpu.memory_space<vmem>> -> memref<128x64xf32, #tpu.memory_space<vmem>>
    %dma_start3A_101 = arith.constant 0 : i32
    %dma_start3A_102 = tpu.memref_slice %arg5[%dma_start3A_94, %dma_start3A_101] : memref<200x128xi32, #tpu.memory_space<vmem>> -> memref<1x128xi32, #tpu.memory_space<vmem>>
    %dma_start3A_103 = tpu.memref_squeeze %dma_start3A_102 : memref<1x128xi32, #tpu.memory_space<vmem>> -> memref<128xi32, #tpu.memory_space<vmem>>
    %dma_start3A_104 = arith.constant 0 : i32
    %dma_start3A_105 = arith.constant 0 : i32
    %dma_start3A_106 = tpu.memref_slice %arg3[%dma_start3A_104, %dma_start3A_105] : memref<1000000x64xf32, #tpu.memory_space<hbm>> -> memref<1000000x64xf32, #tpu.memory_space<hbm>>
    %dma_start3A_107 = tpu.memref_slice %arg7[%dma_start3A_96] : memref<8x!tpu.dma_semaphore, #tpu.memory_space<semaphore_mem>> -> memref<1x!tpu.dma_semaphore, #tpu.memory_space<semaphore_mem>>
    %dma_start3A_108 = tpu.memref_squeeze %dma_start3A_107 : memref<1x!tpu.dma_semaphore, #tpu.memory_space<semaphore_mem>> -> memref<!tpu.dma_semaphore, #tpu.memory_space<semaphore_mem>>
    tpu.enqueue_indirect_dma source(%dma_start3A_106 : memref<1000000x64xf32, #tpu.memory_space<hbm>>) target(%dma_start3A_100 : memref<128x64xf32, #tpu.memory_space<vmem>>) offsets(%dma_start3A_103 : memref<128xi32, #tpu.memory_space<vmem>>) semaphore(%dma_start3A_108 : memref<!tpu.dma_semaphore, #tpu.memory_space<semaphore_mem>>)
    %dma_wait3A_109 = arith.constant 1 : i32
    %dma_wait3A_110 = arith.constant 1 : i32
    %dma_wait3A_111 = arith.constant 1 : i32
    %dma_wait3A_112 = arith.constant 0 : i32
    %dma_wait3A_113 = arith.constant 0 : i32
    %dma_wait3A_114 = tpu.memref_slice %arg6[%dma_wait3A_110, %dma_wait3A_112, %dma_wait3A_113] : memref<8x128x64xf32, #tpu.memory_space<vmem>> -> memref<1x128x64xf32, #tpu.memory_space<vmem>>
    %dma_wait3A_115 = tpu.memref_squeeze %dma_wait3A_114 : memref<1x128x64xf32, #tpu.memory_space<vmem>> -> memref<128x64xf32, #tpu.memory_space<vmem>>
    %dma_wait3A_116 = arith.constant 0 : i32
    %dma_wait3A_117 = tpu.memref_slice %arg5[%dma_wait3A_109, %dma_wait3A_116] : memref<200x128xi32, #tpu.memory_space<vmem>> -> memref<1x128xi32, #tpu.memory_space<vmem>>
    %dma_wait3A_118 = tpu.memref_squeeze %dma_wait3A_117 : memref<1x128xi32, #tpu.memory_space<vmem>> -> memref<128xi32, #tpu.memory_space<vmem>>
    %dma_wait3A_119 = arith.constant 0 : i32
    %dma_wait3A_120 = arith.constant 0 : i32
    %dma_wait3A_121 = tpu.memref_slice %arg3[%dma_wait3A_119, %dma_wait3A_120] : memref<1000000x64xf32, #tpu.memory_space<hbm>> -> memref<1000000x64xf32, #tpu.memory_space<hbm>>
    %dma_wait3A_122 = tpu.memref_slice %arg7[%dma_wait3A_111] : memref<8x!tpu.dma_semaphore, #tpu.memory_space<semaphore_mem>> -> memref<1x!tpu.dma_semaphore, #tpu.memory_space<semaphore_mem>>
    %dma_wait3A_123 = tpu.memref_squeeze %dma_wait3A_122 : memref<1x!tpu.dma_semaphore, #tpu.memory_space<semaphore_mem>> -> memref<!tpu.dma_semaphore, #tpu.memory_space<semaphore_mem>>
    tpu.wait_indirect_dma semaphore(%dma_wait3A_123 : memref<!tpu.dma_semaphore, #tpu.memory_space<semaphore_mem>>) src(%dma_wait3A_121 : memref<1000000x64xf32, #tpu.memory_space<hbm>>) dst(%dma_wait3A_115 : memref<128x64xf32, #tpu.memory_space<vmem>>)
    %add3A_124 = arith.constant 128 : i32
    %add3A_125 = arith.addi %mul3A_2, %add3A_124 : i32
    %dma_start3A_126 = arith.constant 1 : i32
    %dma_start3A_127 = arith.constant 1 : i32
    %dma_start3A_128 = arith.constant 0 : i32
    %dma_start3A_129 = arith.constant 0 : i32
    %dma_start3A_130 = tpu.memref_slice %arg6[%dma_start3A_126, %dma_start3A_128, %dma_start3A_129] : memref<8x128x64xf32, #tpu.memory_space<vmem>> -> memref<1x128x64xf32, #tpu.memory_space<vmem>>
    %dma_start3A_131 = tpu.memref_squeeze %dma_start3A_130 : memref<1x128x64xf32, #tpu.memory_space<vmem>> -> memref<128x64xf32, #tpu.memory_space<vmem>>
    %dma_start3A_132 = arith.constant 0 : i32
    %dma_start3A_133 = tpu.memref_slice %arg4[%add3A_125, %dma_start3A_132] : memref<819200x64xf32, #tpu.memory_space<hbm>> -> memref<128x64xf32, #tpu.memory_space<hbm>>
    %dma_start3A_134 = tpu.memref_slice %arg8[%dma_start3A_127] : memref<8x!tpu.dma_semaphore, #tpu.memory_space<semaphore_mem>> -> memref<1x!tpu.dma_semaphore, #tpu.memory_space<semaphore_mem>>
    %dma_start3A_135 = tpu.memref_squeeze %dma_start3A_134 : memref<1x!tpu.dma_semaphore, #tpu.memory_space<semaphore_mem>> -> memref<!tpu.dma_semaphore, #tpu.memory_space<semaphore_mem>>
    %dma_start3A_136 = arith.constant 0 : i32
    %dma_start3A_137 = tpu.memref_slice %arg4[%add3A_125, %dma_start3A_136] : memref<819200x64xf32, #tpu.memory_space<hbm>> -> memref<128x64xf32, #tpu.memory_space<hbm>>
    %dma_start3A_138 = arith.constant 0 : i32
    %dma_start3A_139 = arith.constant 0 : i32
    %dma_start3A_140 = tpu.memref_slice %arg6[%dma_start3A_126, %dma_start3A_138, %dma_start3A_139] : memref<8x128x64xf32, #tpu.memory_space<vmem>> -> memref<1x128x64xf32, #tpu.memory_space<vmem>>
    %dma_start3A_141 = tpu.memref_squeeze %dma_start3A_140 : memref<1x128x64xf32, #tpu.memory_space<vmem>> -> memref<128x64xf32, #tpu.memory_space<vmem>>
    tpu.enqueue_dma source(%dma_start3A_141 : memref<128x64xf32, #tpu.memory_space<vmem>>) target(%dma_start3A_137 : memref<128x64xf32, #tpu.memory_space<hbm>>) target_semaphore(%dma_start3A_135 : memref<!tpu.dma_semaphore, #tpu.memory_space<semaphore_mem>>)
    %dma_start3A_142 = arith.constant 5 : i32
    %dma_start3A_143 = arith.constant 5 : i32
    %dma_start3A_144 = arith.constant 5 : i32
    %dma_start3A_145 = arith.constant 0 : i32
    %dma_start3A_146 = arith.constant 0 : i32
    %dma_start3A_147 = tpu.memref_slice %arg6[%dma_start3A_143, %dma_start3A_145, %dma_start3A_146] : memref<8x128x64xf32, #tpu.memory_space<vmem>> -> memref<1x128x64xf32, #tpu.memory_space<vmem>>
    %dma_start3A_148 = tpu.memref_squeeze %dma_start3A_147 : memref<1x128x64xf32, #tpu.memory_space<vmem>> -> memref<128x64xf32, #tpu.memory_space<vmem>>
    %dma_start3A_149 = arith.constant 0 : i32
    %dma_start3A_150 = tpu.memref_slice %arg5[%dma_start3A_142, %dma_start3A_149] : memref<200x128xi32, #tpu.memory_space<vmem>> -> memref<1x128xi32, #tpu.memory_space<vmem>>
    %dma_start3A_151 = tpu.memref_squeeze %dma_start3A_150 : memref<1x128xi32, #tpu.memory_space<vmem>> -> memref<128xi32, #tpu.memory_space<vmem>>
    %dma_start3A_152 = arith.constant 0 : i32
    %dma_start3A_153 = arith.constant 0 : i32
    %dma_start3A_154 = tpu.memref_slice %arg3[%dma_start3A_152, %dma_start3A_153] : memref<1000000x64xf32, #tpu.memory_space<hbm>> -> memref<1000000x64xf32, #tpu.memory_space<hbm>>
    %dma_start3A_155 = tpu.memref_slice %arg7[%dma_start3A_144] : memref<8x!tpu.dma_semaphore, #tpu.memory_space<semaphore_mem>> -> memref<1x!tpu.dma_semaphore, #tpu.memory_space<semaphore_mem>>
    %dma_start3A_156 = tpu.memref_squeeze %dma_start3A_155 : memref<1x!tpu.dma_semaphore, #tpu.memory_space<semaphore_mem>> -> memref<!tpu.dma_semaphore, #tpu.memory_space<semaphore_mem>>
    tpu.enqueue_indirect_dma source(%dma_start3A_154 : memref<1000000x64xf32, #tpu.memory_space<hbm>>) target(%dma_start3A_148 : memref<128x64xf32, #tpu.memory_space<vmem>>) offsets(%dma_start3A_151 : memref<128xi32, #tpu.memory_space<vmem>>) semaphore(%dma_start3A_156 : memref<!tpu.dma_semaphore, #tpu.memory_space<semaphore_mem>>)
    %dma_wait3A_157 = arith.constant 2 : i32
    %dma_wait3A_158 = arith.constant 2 : i32
    %dma_wait3A_159 = arith.constant 2 : i32
    %dma_wait3A_160 = arith.constant 0 : i32
    %dma_wait3A_161 = arith.constant 0 : i32
    %dma_wait3A_162 = tpu.memref_slice %arg6[%dma_wait3A_158, %dma_wait3A_160, %dma_wait3A_161] : memref<8x128x64xf32, #tpu.memory_space<vmem>> -> memref<1x128x64xf32, #tpu.memory_space<vmem>>
    %dma_wait3A_163 = tpu.memref_squeeze %dma_wait3A_162 : memref<1x128x64xf32, #tpu.memory_space<vmem>> -> memref<128x64xf32, #tpu.memory_space<vmem>>
    %dma_wait3A_164 = arith.constant 0 : i32
    %dma_wait3A_165 = tpu.memref_slice %arg5[%dma_wait3A_157, %dma_wait3A_164] : memref<200x128xi32, #tpu.memory_space<vmem>> -> memref<1x128xi32, #tpu.memory_space<vmem>>
    %dma_wait3A_166 = tpu.memref_squeeze %dma_wait3A_165 : memref<1x128xi32, #tpu.memory_space<vmem>> -> memref<128xi32, #tpu.memory_space<vmem>>
    %dma_wait3A_167 = arith.constant 0 : i32
    %dma_wait3A_168 = arith.constant 0 : i32
    %dma_wait3A_169 = tpu.memref_slice %arg3[%dma_wait3A_167, %dma_wait3A_168] : memref<1000000x64xf32, #tpu.memory_space<hbm>> -> memref<1000000x64xf32, #tpu.memory_space<hbm>>
    %dma_wait3A_170 = tpu.memref_slice %arg7[%dma_wait3A_159] : memref<8x!tpu.dma_semaphore, #tpu.memory_space<semaphore_mem>> -> memref<1x!tpu.dma_semaphore, #tpu.memory_space<semaphore_mem>>
    %dma_wait3A_171 = tpu.memref_squeeze %dma_wait3A_170 : memref<1x!tpu.dma_semaphore, #tpu.memory_space<semaphore_mem>> -> memref<!tpu.dma_semaphore, #tpu.memory_space<semaphore_mem>>
    tpu.wait_indirect_dma semaphore(%dma_wait3A_171 : memref<!tpu.dma_semaphore, #tpu.memory_space<semaphore_mem>>) src(%dma_wait3A_169 : memref<1000000x64xf32, #tpu.memory_space<hbm>>) dst(%dma_wait3A_163 : memref<128x64xf32, #tpu.memory_space<vmem>>)
    %add3A_172 = arith.constant 256 : i32
    %add3A_173 = arith.addi %mul3A_2, %add3A_172 : i32
    %dma_start3A_174 = arith.constant 2 : i32
    %dma_start3A_175 = arith.constant 2 : i32
    %dma_start3A_176 = arith.constant 0 : i32
    %dma_start3A_177 = arith.constant 0 : i32
    %dma_start3A_178 = tpu.memref_slice %arg6[%dma_start3A_174, %dma_start3A_176, %dma_start3A_177] : memref<8x128x64xf32, #tpu.memory_space<vmem>> -> memref<1x128x64xf32, #tpu.memory_space<vmem>>
    %dma_start3A_179 = tpu.memref_squeeze %dma_start3A_178 : memref<1x128x64xf32, #tpu.memory_space<vmem>> -> memref<128x64xf32, #tpu.memory_space<vmem>>
    %dma_start3A_180 = arith.constant 0 : i32
    %dma_start3A_181 = tpu.memref_slice %arg4[%add3A_173, %dma_start3A_180] : memref<819200x64xf32, #tpu.memory_space<hbm>> -> memref<128x64xf32, #tpu.memory_space<hbm>>
    %dma_start3A_182 = tpu.memref_slice %arg8[%dma_start3A_175] : memref<8x!tpu.dma_semaphore, #tpu.memory_space<semaphore_mem>> -> memref<1x!tpu.dma_semaphore, #tpu.memory_space<semaphore_mem>>
    %dma_start3A_183 = tpu.memref_squeeze %dma_start3A_182 : memref<1x!tpu.dma_semaphore, #tpu.memory_space<semaphore_mem>> -> memref<!tpu.dma_semaphore, #tpu.memory_space<semaphore_mem>>
    %dma_start3A_184 = arith.constant 0 : i32
    %dma_start3A_185 = tpu.memref_slice %arg4[%add3A_173, %dma_start3A_184] : memref<819200x64xf32, #tpu.memory_space<hbm>> -> memref<128x64xf32, #tpu.memory_space<hbm>>
    %dma_start3A_186 = arith.constant 0 : i32
    %dma_start3A_187 = arith.constant 0 : i32
    %dma_start3A_188 = tpu.memref_slice %arg6[%dma_start3A_174, %dma_start3A_186, %dma_start3A_187] : memref<8x128x64xf32, #tpu.memory_space<vmem>> -> memref<1x128x64xf32, #tpu.memory_space<vmem>>
    %dma_start3A_189 = tpu.memref_squeeze %dma_start3A_188 : memref<1x128x64xf32, #tpu.memory_space<vmem>> -> memref<128x64xf32, #tpu.memory_space<vmem>>
    tpu.enqueue_dma source(%dma_start3A_189 : memref<128x64xf32, #tpu.memory_space<vmem>>) target(%dma_start3A_185 : memref<128x64xf32, #tpu.memory_space<hbm>>) target_semaphore(%dma_start3A_183 : memref<!tpu.dma_semaphore, #tpu.memory_space<semaphore_mem>>)
    %dma_start3A_190 = arith.constant 6 : i32
    %dma_start3A_191 = arith.constant 6 : i32
    %dma_start3A_192 = arith.constant 6 : i32
    %dma_start3A_193 = arith.constant 0 : i32
    %dma_start3A_194 = arith.constant 0 : i32
    %dma_start3A_195 = tpu.memref_slice %arg6[%dma_start3A_191, %dma_start3A_193, %dma_start3A_194] : memref<8x128x64xf32, #tpu.memory_space<vmem>> -> memref<1x128x64xf32, #tpu.memory_space<vmem>>
    %dma_start3A_196 = tpu.memref_squeeze %dma_start3A_195 : memref<1x128x64xf32, #tpu.memory_space<vmem>> -> memref<128x64xf32, #tpu.memory_space<vmem>>
    %dma_start3A_197 = arith.constant 0 : i32
    %dma_start3A_198 = tpu.memref_slice %arg5[%dma_start3A_190, %dma_start3A_197] : memref<200x128xi32, #tpu.memory_space<vmem>> -> memref<1x128xi32, #tpu.memory_space<vmem>>
    %dma_start3A_199 = tpu.memref_squeeze %dma_start3A_198 : memref<1x128xi32, #tpu.memory_space<vmem>> -> memref<128xi32, #tpu.memory_space<vmem>>
    %dma_start3A_200 = arith.constant 0 : i32
    %dma_start3A_201 = arith.constant 0 : i32
    %dma_start3A_202 = tpu.memref_slice %arg3[%dma_start3A_200, %dma_start3A_201] : memref<1000000x64xf32, #tpu.memory_space<hbm>> -> memref<1000000x64xf32, #tpu.memory_space<hbm>>
    %dma_start3A_203 = tpu.memref_slice %arg7[%dma_start3A_192] : memref<8x!tpu.dma_semaphore, #tpu.memory_space<semaphore_mem>> -> memref<1x!tpu.dma_semaphore, #tpu.memory_space<semaphore_mem>>
    %dma_start3A_204 = tpu.memref_squeeze %dma_start3A_203 : memref<1x!tpu.dma_semaphore, #tpu.memory_space<semaphore_mem>> -> memref<!tpu.dma_semaphore, #tpu.memory_space<semaphore_mem>>
    tpu.enqueue_indirect_dma source(%dma_start3A_202 : memref<1000000x64xf32, #tpu.memory_space<hbm>>) target(%dma_start3A_196 : memref<128x64xf32, #tpu.memory_space<vmem>>) offsets(%dma_start3A_199 : memref<128xi32, #tpu.memory_space<vmem>>) semaphore(%dma_start3A_204 : memref<!tpu.dma_semaphore, #tpu.memory_space<semaphore_mem>>)
    %dma_wait3A_205 = arith.constant 3 : i32
    %dma_wait3A_206 = arith.constant 3 : i32
    %dma_wait3A_207 = arith.constant 3 : i32
    %dma_wait3A_208 = arith.constant 0 : i32
    %dma_wait3A_209 = arith.constant 0 : i32
    %dma_wait3A_210 = tpu.memref_slice %arg6[%dma_wait3A_206, %dma_wait3A_208, %dma_wait3A_209] : memref<8x128x64xf32, #tpu.memory_space<vmem>> -> memref<1x128x64xf32, #tpu.memory_space<vmem>>
    %dma_wait3A_211 = tpu.memref_squeeze %dma_wait3A_210 : memref<1x128x64xf32, #tpu.memory_space<vmem>> -> memref<128x64xf32, #tpu.memory_space<vmem>>
    %dma_wait3A_212 = arith.constant 0 : i32
    %dma_wait3A_213 = tpu.memref_slice %arg5[%dma_wait3A_205, %dma_wait3A_212] : memref<200x128xi32, #tpu.memory_space<vmem>> -> memref<1x128xi32, #tpu.memory_space<vmem>>
    %dma_wait3A_214 = tpu.memref_squeeze %dma_wait3A_213 : memref<1x128xi32, #tpu.memory_space<vmem>> -> memref<128xi32, #tpu.memory_space<vmem>>
    %dma_wait3A_215 = arith.constant 0 : i32
    %dma_wait3A_216 = arith.constant 0 : i32
    %dma_wait3A_217 = tpu.memref_slice %arg3[%dma_wait3A_215, %dma_wait3A_216] : memref<1000000x64xf32, #tpu.memory_space<hbm>> -> memref<1000000x64xf32, #tpu.memory_space<hbm>>
    %dma_wait3A_218 = tpu.memref_slice %arg7[%dma_wait3A_207] : memref<8x!tpu.dma_semaphore, #tpu.memory_space<semaphore_mem>> -> memref<1x!tpu.dma_semaphore, #tpu.memory_space<semaphore_mem>>
    %dma_wait3A_219 = tpu.memref_squeeze %dma_wait3A_218 : memref<1x!tpu.dma_semaphore, #tpu.memory_space<semaphore_mem>> -> memref<!tpu.dma_semaphore, #tpu.memory_space<semaphore_mem>>
    tpu.wait_indirect_dma semaphore(%dma_wait3A_219 : memref<!tpu.dma_semaphore, #tpu.memory_space<semaphore_mem>>) src(%dma_wait3A_217 : memref<1000000x64xf32, #tpu.memory_space<hbm>>) dst(%dma_wait3A_211 : memref<128x64xf32, #tpu.memory_space<vmem>>)
    %add3A_220 = arith.constant 384 : i32
    %add3A_221 = arith.addi %mul3A_2, %add3A_220 : i32
    %dma_start3A_222 = arith.constant 3 : i32
    %dma_start3A_223 = arith.constant 3 : i32
    %dma_start3A_224 = arith.constant 0 : i32
    %dma_start3A_225 = arith.constant 0 : i32
    %dma_start3A_226 = tpu.memref_slice %arg6[%dma_start3A_222, %dma_start3A_224, %dma_start3A_225] : memref<8x128x64xf32, #tpu.memory_space<vmem>> -> memref<1x128x64xf32, #tpu.memory_space<vmem>>
    %dma_start3A_227 = tpu.memref_squeeze %dma_start3A_226 : memref<1x128x64xf32, #tpu.memory_space<vmem>> -> memref<128x64xf32, #tpu.memory_space<vmem>>
    %dma_start3A_228 = arith.constant 0 : i32
    %dma_start3A_229 = tpu.memref_slice %arg4[%add3A_221, %dma_start3A_228] : memref<819200x64xf32, #tpu.memory_space<hbm>> -> memref<128x64xf32, #tpu.memory_space<hbm>>
    %dma_start3A_230 = tpu.memref_slice %arg8[%dma_start3A_223] : memref<8x!tpu.dma_semaphore, #tpu.memory_space<semaphore_mem>> -> memref<1x!tpu.dma_semaphore, #tpu.memory_space<semaphore_mem>>
    %dma_start3A_231 = tpu.memref_squeeze %dma_start3A_230 : memref<1x!tpu.dma_semaphore, #tpu.memory_space<semaphore_mem>> -> memref<!tpu.dma_semaphore, #tpu.memory_space<semaphore_mem>>
    %dma_start3A_232 = arith.constant 0 : i32
    %dma_start3A_233 = tpu.memref_slice %arg4[%add3A_221, %dma_start3A_232] : memref<819200x64xf32, #tpu.memory_space<hbm>> -> memref<128x64xf32, #tpu.memory_space<hbm>>
    %dma_start3A_234 = arith.constant 0 : i32
    %dma_start3A_235 = arith.constant 0 : i32
    %dma_start3A_236 = tpu.memref_slice %arg6[%dma_start3A_222, %dma_start3A_234, %dma_start3A_235] : memref<8x128x64xf32, #tpu.memory_space<vmem>> -> memref<1x128x64xf32, #tpu.memory_space<vmem>>
    %dma_start3A_237 = tpu.memref_squeeze %dma_start3A_236 : memref<1x128x64xf32, #tpu.memory_space<vmem>> -> memref<128x64xf32, #tpu.memory_space<vmem>>
    tpu.enqueue_dma source(%dma_start3A_237 : memref<128x64xf32, #tpu.memory_space<vmem>>) target(%dma_start3A_233 : memref<128x64xf32, #tpu.memory_space<hbm>>) target_semaphore(%dma_start3A_231 : memref<!tpu.dma_semaphore, #tpu.memory_space<semaphore_mem>>)
    %dma_start3A_238 = arith.constant 7 : i32
    %dma_start3A_239 = arith.constant 7 : i32
    %dma_start3A_240 = arith.constant 7 : i32
    %dma_start3A_241 = arith.constant 0 : i32
    %dma_start3A_242 = arith.constant 0 : i32
    %dma_start3A_243 = tpu.memref_slice %arg6[%dma_start3A_239, %dma_start3A_241, %dma_start3A_242] : memref<8x128x64xf32, #tpu.memory_space<vmem>> -> memref<1x128x64xf32, #tpu.memory_space<vmem>>
    %dma_start3A_244 = tpu.memref_squeeze %dma_start3A_243 : memref<1x128x64xf32, #tpu.memory_space<vmem>> -> memref<128x64xf32, #tpu.memory_space<vmem>>
    %dma_start3A_245 = arith.constant 0 : i32
    %dma_start3A_246 = tpu.memref_slice %arg5[%dma_start3A_238, %dma_start3A_245] : memref<200x128xi32, #tpu.memory_space<vmem>> -> memref<1x128xi32, #tpu.memory_space<vmem>>
    %dma_start3A_247 = tpu.memref_squeeze %dma_start3A_246 : memref<1x128xi32, #tpu.memory_space<vmem>> -> memref<128xi32, #tpu.memory_space<vmem>>
    %dma_start3A_248 = arith.constant 0 : i32
    %dma_start3A_249 = arith.constant 0 : i32
    %dma_start3A_250 = tpu.memref_slice %arg3[%dma_start3A_248, %dma_start3A_249] : memref<1000000x64xf32, #tpu.memory_space<hbm>> -> memref<1000000x64xf32, #tpu.memory_space<hbm>>
    %dma_start3A_251 = tpu.memref_slice %arg7[%dma_start3A_240] : memref<8x!tpu.dma_semaphore, #tpu.memory_space<semaphore_mem>> -> memref<1x!tpu.dma_semaphore, #tpu.memory_space<semaphore_mem>>
    %dma_start3A_252 = tpu.memref_squeeze %dma_start3A_251 : memref<1x!tpu.dma_semaphore, #tpu.memory_space<semaphore_mem>> -> memref<!tpu.dma_semaphore, #tpu.memory_space<semaphore_mem>>
    tpu.enqueue_indirect_dma source(%dma_start3A_250 : memref<1000000x64xf32, #tpu.memory_space<hbm>>) target(%dma_start3A_244 : memref<128x64xf32, #tpu.memory_space<vmem>>) offsets(%dma_start3A_247 : memref<128xi32, #tpu.memory_space<vmem>>) semaphore(%dma_start3A_252 : memref<!tpu.dma_semaphore, #tpu.memory_space<semaphore_mem>>)
    %scan3A = arith.constant 0 : i32
    %scan3A_253 = arith.constant 0 : i32
    %scan3A_254 = arith.constant 24 : i32
    %scan3A_255 = arith.addi %scan3A_253, %scan3A_254 : i32
    %scan3A_256 = arith.constant 1 : i32
    scf.for %scan3A_534 = %scan3A_253 to %scan3A_255 step %scan3A_256  : i32 {
      %mul3A_535 = arith.constant 8 : i32
      %mul3A_536 = arith.muli %scan3A_534, %mul3A_535 : i32
      %add3A_537 = arith.constant 0 : i32
      %add3A_538 = arith.addi %mul3A_536, %add3A_537 : i32
      %add3A_539 = arith.constant 4 : i32
      %add3A_540 = arith.addi %add3A_538, %add3A_539 : i32
      %dma_wait3A_541 = arith.constant 4 : i32
      %dma_wait3A_542 = arith.constant 4 : i32
      %dma_wait3A_543 = arith.constant 0 : i32
      %dma_wait3A_544 = arith.constant 0 : i32
      %dma_wait3A_545 = tpu.memref_slice %arg6[%dma_wait3A_541, %dma_wait3A_543, %dma_wait3A_544] : memref<8x128x64xf32, #tpu.memory_space<vmem>> -> memref<1x128x64xf32, #tpu.memory_space<vmem>>
      %dma_wait3A_546 = tpu.memref_squeeze %dma_wait3A_545 : memref<1x128x64xf32, #tpu.memory_space<vmem>> -> memref<128x64xf32, #tpu.memory_space<vmem>>
      %dma_wait3A_547 = arith.constant 0 : i32
      %dma_wait3A_548 = tpu.memref_slice %arg5[%add3A_540, %dma_wait3A_547] : memref<200x128xi32, #tpu.memory_space<vmem>> -> memref<1x128xi32, #tpu.memory_space<vmem>>
      %dma_wait3A_549 = tpu.memref_squeeze %dma_wait3A_548 : memref<1x128xi32, #tpu.memory_space<vmem>> -> memref<128xi32, #tpu.memory_space<vmem>>
      %dma_wait3A_550 = arith.constant 0 : i32
      %dma_wait3A_551 = arith.constant 0 : i32
      %dma_wait3A_552 = tpu.memref_slice %arg3[%dma_wait3A_550, %dma_wait3A_551] : memref<1000000x64xf32, #tpu.memory_space<hbm>> -> memref<1000000x64xf32, #tpu.memory_space<hbm>>
      %dma_wait3A_553 = tpu.memref_slice %arg7[%dma_wait3A_542] : memref<8x!tpu.dma_semaphore, #tpu.memory_space<semaphore_mem>> -> memref<1x!tpu.dma_semaphore, #tpu.memory_space<semaphore_mem>>
      %dma_wait3A_554 = tpu.memref_squeeze %dma_wait3A_553 : memref<1x!tpu.dma_semaphore, #tpu.memory_space<semaphore_mem>> -> memref<!tpu.dma_semaphore, #tpu.memory_space<semaphore_mem>>
      tpu.wait_indirect_dma semaphore(%dma_wait3A_554 : memref<!tpu.dma_semaphore, #tpu.memory_space<semaphore_mem>>) src(%dma_wait3A_552 : memref<1000000x64xf32, #tpu.memory_space<hbm>>) dst(%dma_wait3A_546 : memref<128x64xf32, #tpu.memory_space<vmem>>)
      %mul3A_555 = arith.constant 128 : i32
      %mul3A_556 = arith.muli %add3A_540, %mul3A_555 : i32
      %add3A_557 = arith.addi %mul3A_2, %mul3A_556 : i32
      %dma_start3A_558 = arith.constant 4 : i32
      %dma_start3A_559 = arith.constant 4 : i32
      %dma_start3A_560 = arith.constant 0 : i32
      %dma_start3A_561 = arith.constant 0 : i32
      %dma_start3A_562 = tpu.memref_slice %arg6[%dma_start3A_558, %dma_start3A_560, %dma_start3A_561] : memref<8x128x64xf32, #tpu.memory_space<vmem>> -> memref<1x128x64xf32, #tpu.memory_space<vmem>>
      %dma_start3A_563 = tpu.memref_squeeze %dma_start3A_562 : memref<1x128x64xf32, #tpu.memory_space<vmem>> -> memref<128x64xf32, #tpu.memory_space<vmem>>
      %dma_start3A_564 = arith.constant 0 : i32
      %dma_start3A_565 = tpu.memref_slice %arg4[%add3A_557, %dma_start3A_564] : memref<819200x64xf32, #tpu.memory_space<hbm>> -> memref<128x64xf32, #tpu.memory_space<hbm>>
      %dma_start3A_566 = tpu.memref_slice %arg8[%dma_start3A_559] : memref<8x!tpu.dma_semaphore, #tpu.memory_space<semaphore_mem>> -> memref<1x!tpu.dma_semaphore, #tpu.memory_space<semaphore_mem>>
      %dma_start3A_567 = tpu.memref_squeeze %dma_start3A_566 : memref<1x!tpu.dma_semaphore, #tpu.memory_space<semaphore_mem>> -> memref<!tpu.dma_semaphore, #tpu.memory_space<semaphore_mem>>
      %dma_start3A_568 = arith.constant 0 : i32
      %dma_start3A_569 = tpu.memref_slice %arg4[%add3A_557, %dma_start3A_568] : memref<819200x64xf32, #tpu.memory_space<hbm>> -> memref<128x64xf32, #tpu.memory_space<hbm>>
      %dma_start3A_570 = arith.constant 0 : i32
      %dma_start3A_571 = arith.constant 0 : i32
      %dma_start3A_572 = tpu.memref_slice %arg6[%dma_start3A_558, %dma_start3A_570, %dma_start3A_571] : memref<8x128x64xf32, #tpu.memory_space<vmem>> -> memref<1x128x64xf32, #tpu.memory_space<vmem>>
      %dma_start3A_573 = tpu.memref_squeeze %dma_start3A_572 : memref<1x128x64xf32, #tpu.memory_space<vmem>> -> memref<128x64xf32, #tpu.memory_space<vmem>>
      tpu.enqueue_dma source(%dma_start3A_573 : memref<128x64xf32, #tpu.memory_space<vmem>>) target(%dma_start3A_569 : memref<128x64xf32, #tpu.memory_space<hbm>>) target_semaphore(%dma_start3A_567 : memref<!tpu.dma_semaphore, #tpu.memory_space<semaphore_mem>>)
      %sub3A = arith.constant 4 : i32
      %sub3A_574 = arith.subi %add3A_540, %sub3A : i32
      %mul3A_575 = arith.constant 128 : i32
      %mul3A_576 = arith.muli %sub3A_574, %mul3A_575 : i32
      %add3A_577 = arith.addi %mul3A_2, %mul3A_576 : i32
      %dma_wait3A_578 = arith.constant 0 : i32
      %dma_wait3A_579 = arith.constant 0 : i32
      %dma_wait3A_580 = arith.constant 0 : i32
      %dma_wait3A_581 = arith.constant 0 : i32
      %dma_wait3A_582 = tpu.memref_slice %arg6[%dma_wait3A_578, %dma_wait3A_580, %dma_wait3A_581] : memref<8x128x64xf32, #tpu.memory_space<vmem>> -> memref<1x128x64xf32, #tpu.memory_space<vmem>>
      %dma_wait3A_583 = tpu.memref_squeeze %dma_wait3A_582 : memref<1x128x64xf32, #tpu.memory_space<vmem>> -> memref<128x64xf32, #tpu.memory_space<vmem>>
      %dma_wait3A_584 = arith.constant 0 : i32
      %dma_wait3A_585 = tpu.memref_slice %arg4[%add3A_577, %dma_wait3A_584] : memref<819200x64xf32, #tpu.memory_space<hbm>> -> memref<128x64xf32, #tpu.memory_space<hbm>>
      %dma_wait3A_586 = tpu.memref_slice %arg8[%dma_wait3A_579] : memref<8x!tpu.dma_semaphore, #tpu.memory_space<semaphore_mem>> -> memref<1x!tpu.dma_semaphore, #tpu.memory_space<semaphore_mem>>
      %dma_wait3A_587 = tpu.memref_squeeze %dma_wait3A_586 : memref<1x!tpu.dma_semaphore, #tpu.memory_space<semaphore_mem>> -> memref<!tpu.dma_semaphore, #tpu.memory_space<semaphore_mem>>
      %dma_wait3A_588 = arith.constant 0 : i32
      %dma_wait3A_589 = tpu.memref_slice %arg4[%add3A_577, %dma_wait3A_588] : memref<819200x64xf32, #tpu.memory_space<hbm>> -> memref<128x64xf32, #tpu.memory_space<hbm>>
      %dma_wait3A_590 = arith.constant 0 : i32
      %dma_wait3A_591 = arith.constant 0 : i32
      %dma_wait3A_592 = tpu.memref_slice %arg6[%dma_wait3A_578, %dma_wait3A_590, %dma_wait3A_591] : memref<8x128x64xf32, #tpu.memory_space<vmem>> -> memref<1x128x64xf32, #tpu.memory_space<vmem>>
      %dma_wait3A_593 = tpu.memref_squeeze %dma_wait3A_592 : memref<1x128x64xf32, #tpu.memory_space<vmem>> -> memref<128x64xf32, #tpu.memory_space<vmem>>
      tpu.wait_dma2 semaphore(%dma_wait3A_587 : memref<!tpu.dma_semaphore, #tpu.memory_space<semaphore_mem>>) src(%dma_wait3A_593 : memref<128x64xf32, #tpu.memory_space<vmem>>) dst(%dma_wait3A_589 : memref<128x64xf32, #tpu.memory_space<hbm>>)
      %add3A_594 = arith.constant 4 : i32
      %add3A_595 = arith.addi %add3A_540, %add3A_594 : i32
      %dma_start3A_596 = arith.constant 0 : i32
      %dma_start3A_597 = arith.constant 0 : i32
      %dma_start3A_598 = arith.constant 0 : i32
      %dma_start3A_599 = arith.constant 0 : i32
      %dma_start3A_600 = tpu.memref_slice %arg6[%dma_start3A_596, %dma_start3A_598, %dma_start3A_599] : memref<8x128x64xf32, #tpu.memory_space<vmem>> -> memref<1x128x64xf32, #tpu.memory_space<vmem>>
      %dma_start3A_601 = tpu.memref_squeeze %dma_start3A_600 : memref<1x128x64xf32, #tpu.memory_space<vmem>> -> memref<128x64xf32, #tpu.memory_space<vmem>>
      %dma_start3A_602 = arith.constant 0 : i32
      %dma_start3A_603 = tpu.memref_slice %arg5[%add3A_595, %dma_start3A_602] : memref<200x128xi32, #tpu.memory_space<vmem>> -> memref<1x128xi32, #tpu.memory_space<vmem>>
      %dma_start3A_604 = tpu.memref_squeeze %dma_start3A_603 : memref<1x128xi32, #tpu.memory_space<vmem>> -> memref<128xi32, #tpu.memory_space<vmem>>
      %dma_start3A_605 = arith.constant 0 : i32
      %dma_start3A_606 = arith.constant 0 : i32
      %dma_start3A_607 = tpu.memref_slice %arg3[%dma_start3A_605, %dma_start3A_606] : memref<1000000x64xf32, #tpu.memory_space<hbm>> -> memref<1000000x64xf32, #tpu.memory_space<hbm>>
      %dma_start3A_608 = tpu.memref_slice %arg7[%dma_start3A_597] : memref<8x!tpu.dma_semaphore, #tpu.memory_space<semaphore_mem>> -> memref<1x!tpu.dma_semaphore, #tpu.memory_space<semaphore_mem>>
      %dma_start3A_609 = tpu.memref_squeeze %dma_start3A_608 : memref<1x!tpu.dma_semaphore, #tpu.memory_space<semaphore_mem>> -> memref<!tpu.dma_semaphore, #tpu.memory_space<semaphore_mem>>
      tpu.enqueue_indirect_dma source(%dma_start3A_607 : memref<1000000x64xf32, #tpu.memory_space<hbm>>) target(%dma_start3A_601 : memref<128x64xf32, #tpu.memory_space<vmem>>) offsets(%dma_start3A_604 : memref<128xi32, #tpu.memory_space<vmem>>) semaphore(%dma_start3A_609 : memref<!tpu.dma_semaphore, #tpu.memory_space<semaphore_mem>>)
      %mul3A_610 = arith.constant 8 : i32
      %mul3A_611 = arith.muli %scan3A_534, %mul3A_610 : i32
      %add3A_612 = arith.constant 1 : i32
      %add3A_613 = arith.addi %mul3A_611, %add3A_612 : i32
      %add3A_614 = arith.constant 4 : i32
      %add3A_615 = arith.addi %add3A_613, %add3A_614 : i32
      %dma_wait3A_616 = arith.constant 5 : i32
      %dma_wait3A_617 = arith.constant 5 : i32
      %dma_wait3A_618 = arith.constant 0 : i32
      %dma_wait3A_619 = arith.constant 0 : i32
      %dma_wait3A_620 = tpu.memref_slice %arg6[%dma_wait3A_616, %dma_wait3A_618, %dma_wait3A_619] : memref<8x128x64xf32, #tpu.memory_space<vmem>> -> memref<1x128x64xf32, #tpu.memory_space<vmem>>
      %dma_wait3A_621 = tpu.memref_squeeze %dma_wait3A_620 : memref<1x128x64xf32, #tpu.memory_space<vmem>> -> memref<128x64xf32, #tpu.memory_space<vmem>>
      %dma_wait3A_622 = arith.constant 0 : i32
      %dma_wait3A_623 = tpu.memref_slice %arg5[%add3A_615, %dma_wait3A_622] : memref<200x128xi32, #tpu.memory_space<vmem>> -> memref<1x128xi32, #tpu.memory_space<vmem>>
      %dma_wait3A_624 = tpu.memref_squeeze %dma_wait3A_623 : memref<1x128xi32, #tpu.memory_space<vmem>> -> memref<128xi32, #tpu.memory_space<vmem>>
      %dma_wait3A_625 = arith.constant 0 : i32
      %dma_wait3A_626 = arith.constant 0 : i32
      %dma_wait3A_627 = tpu.memref_slice %arg3[%dma_wait3A_625, %dma_wait3A_626] : memref<1000000x64xf32, #tpu.memory_space<hbm>> -> memref<1000000x64xf32, #tpu.memory_space<hbm>>
      %dma_wait3A_628 = tpu.memref_slice %arg7[%dma_wait3A_617] : memref<8x!tpu.dma_semaphore, #tpu.memory_space<semaphore_mem>> -> memref<1x!tpu.dma_semaphore, #tpu.memory_space<semaphore_mem>>
      %dma_wait3A_629 = tpu.memref_squeeze %dma_wait3A_628 : memref<1x!tpu.dma_semaphore, #tpu.memory_space<semaphore_mem>> -> memref<!tpu.dma_semaphore, #tpu.memory_space<semaphore_mem>>
      tpu.wait_indirect_dma semaphore(%dma_wait3A_629 : memref<!tpu.dma_semaphore, #tpu.memory_space<semaphore_mem>>) src(%dma_wait3A_627 : memref<1000000x64xf32, #tpu.memory_space<hbm>>) dst(%dma_wait3A_621 : memref<128x64xf32, #tpu.memory_space<vmem>>)
      %mul3A_630 = arith.constant 128 : i32
      %mul3A_631 = arith.muli %add3A_615, %mul3A_630 : i32
      %add3A_632 = arith.addi %mul3A_2, %mul3A_631 : i32
      %dma_start3A_633 = arith.constant 5 : i32
      %dma_start3A_634 = arith.constant 5 : i32
      %dma_start3A_635 = arith.constant 0 : i32
      %dma_start3A_636 = arith.constant 0 : i32
      %dma_start3A_637 = tpu.memref_slice %arg6[%dma_start3A_633, %dma_start3A_635, %dma_start3A_636] : memref<8x128x64xf32, #tpu.memory_space<vmem>> -> memref<1x128x64xf32, #tpu.memory_space<vmem>>
      %dma_start3A_638 = tpu.memref_squeeze %dma_start3A_637 : memref<1x128x64xf32, #tpu.memory_space<vmem>> -> memref<128x64xf32, #tpu.memory_space<vmem>>
      %dma_start3A_639 = arith.constant 0 : i32
      %dma_start3A_640 = tpu.memref_slice %arg4[%add3A_632, %dma_start3A_639] : memref<819200x64xf32, #tpu.memory_space<hbm>> -> memref<128x64xf32, #tpu.memory_space<hbm>>
      %dma_start3A_641 = tpu.memref_slice %arg8[%dma_start3A_634] : memref<8x!tpu.dma_semaphore, #tpu.memory_space<semaphore_mem>> -> memref<1x!tpu.dma_semaphore, #tpu.memory_space<semaphore_mem>>
      %dma_start3A_642 = tpu.memref_squeeze %dma_start3A_641 : memref<1x!tpu.dma_semaphore, #tpu.memory_space<semaphore_mem>> -> memref<!tpu.dma_semaphore, #tpu.memory_space<semaphore_mem>>
      %dma_start3A_643 = arith.constant 0 : i32
      %dma_start3A_644 = tpu.memref_slice %arg4[%add3A_632, %dma_start3A_643] : memref<819200x64xf32, #tpu.memory_space<hbm>> -> memref<128x64xf32, #tpu.memory_space<hbm>>
      %dma_start3A_645 = arith.constant 0 : i32
      %dma_start3A_646 = arith.constant 0 : i32
      %dma_start3A_647 = tpu.memref_slice %arg6[%dma_start3A_633, %dma_start3A_645, %dma_start3A_646] : memref<8x128x64xf32, #tpu.memory_space<vmem>> -> memref<1x128x64xf32, #tpu.memory_space<vmem>>
      %dma_start3A_648 = tpu.memref_squeeze %dma_start3A_647 : memref<1x128x64xf32, #tpu.memory_space<vmem>> -> memref<128x64xf32, #tpu.memory_space<vmem>>
      tpu.enqueue_dma source(%dma_start3A_648 : memref<128x64xf32, #tpu.memory_space<vmem>>) target(%dma_start3A_644 : memref<128x64xf32, #tpu.memory_space<hbm>>) target_semaphore(%dma_start3A_642 : memref<!tpu.dma_semaphore, #tpu.memory_space<semaphore_mem>>)
      %sub3A_649 = arith.constant 4 : i32
      %sub3A_650 = arith.subi %add3A_615, %sub3A_649 : i32
      %mul3A_651 = arith.constant 128 : i32
      %mul3A_652 = arith.muli %sub3A_650, %mul3A_651 : i32
      %add3A_653 = arith.addi %mul3A_2, %mul3A_652 : i32
      %dma_wait3A_654 = arith.constant 1 : i32
      %dma_wait3A_655 = arith.constant 1 : i32
      %dma_wait3A_656 = arith.constant 0 : i32
      %dma_wait3A_657 = arith.constant 0 : i32
      %dma_wait3A_658 = tpu.memref_slice %arg6[%dma_wait3A_654, %dma_wait3A_656, %dma_wait3A_657] : memref<8x128x64xf32, #tpu.memory_space<vmem>> -> memref<1x128x64xf32, #tpu.memory_space<vmem>>
      %dma_wait3A_659 = tpu.memref_squeeze %dma_wait3A_658 : memref<1x128x64xf32, #tpu.memory_space<vmem>> -> memref<128x64xf32, #tpu.memory_space<vmem>>
      %dma_wait3A_660 = arith.constant 0 : i32
      %dma_wait3A_661 = tpu.memref_slice %arg4[%add3A_653, %dma_wait3A_660] : memref<819200x64xf32, #tpu.memory_space<hbm>> -> memref<128x64xf32, #tpu.memory_space<hbm>>
      %dma_wait3A_662 = tpu.memref_slice %arg8[%dma_wait3A_655] : memref<8x!tpu.dma_semaphore, #tpu.memory_space<semaphore_mem>> -> memref<1x!tpu.dma_semaphore, #tpu.memory_space<semaphore_mem>>
      %dma_wait3A_663 = tpu.memref_squeeze %dma_wait3A_662 : memref<1x!tpu.dma_semaphore, #tpu.memory_space<semaphore_mem>> -> memref<!tpu.dma_semaphore, #tpu.memory_space<semaphore_mem>>
      %dma_wait3A_664 = arith.constant 0 : i32
      %dma_wait3A_665 = tpu.memref_slice %arg4[%add3A_653, %dma_wait3A_664] : memref<819200x64xf32, #tpu.memory_space<hbm>> -> memref<128x64xf32, #tpu.memory_space<hbm>>
      %dma_wait3A_666 = arith.constant 0 : i32
      %dma_wait3A_667 = arith.constant 0 : i32
      %dma_wait3A_668 = tpu.memref_slice %arg6[%dma_wait3A_654, %dma_wait3A_666, %dma_wait3A_667] : memref<8x128x64xf32, #tpu.memory_space<vmem>> -> memref<1x128x64xf32, #tpu.memory_space<vmem>>
      %dma_wait3A_669 = tpu.memref_squeeze %dma_wait3A_668 : memref<1x128x64xf32, #tpu.memory_space<vmem>> -> memref<128x64xf32, #tpu.memory_space<vmem>>
      tpu.wait_dma2 semaphore(%dma_wait3A_663 : memref<!tpu.dma_semaphore, #tpu.memory_space<semaphore_mem>>) src(%dma_wait3A_669 : memref<128x64xf32, #tpu.memory_space<vmem>>) dst(%dma_wait3A_665 : memref<128x64xf32, #tpu.memory_space<hbm>>)
      %add3A_670 = arith.constant 4 : i32
      %add3A_671 = arith.addi %add3A_615, %add3A_670 : i32
      %dma_start3A_672 = arith.constant 1 : i32
      %dma_start3A_673 = arith.constant 1 : i32
      %dma_start3A_674 = arith.constant 0 : i32
      %dma_start3A_675 = arith.constant 0 : i32
      %dma_start3A_676 = tpu.memref_slice %arg6[%dma_start3A_672, %dma_start3A_674, %dma_start3A_675] : memref<8x128x64xf32, #tpu.memory_space<vmem>> -> memref<1x128x64xf32, #tpu.memory_space<vmem>>
      %dma_start3A_677 = tpu.memref_squeeze %dma_start3A_676 : memref<1x128x64xf32, #tpu.memory_space<vmem>> -> memref<128x64xf32, #tpu.memory_space<vmem>>
      %dma_start3A_678 = arith.constant 0 : i32
      %dma_start3A_679 = tpu.memref_slice %arg5[%add3A_671, %dma_start3A_678] : memref<200x128xi32, #tpu.memory_space<vmem>> -> memref<1x128xi32, #tpu.memory_space<vmem>>
      %dma_start3A_680 = tpu.memref_squeeze %dma_start3A_679 : memref<1x128xi32, #tpu.memory_space<vmem>> -> memref<128xi32, #tpu.memory_space<vmem>>
      %dma_start3A_681 = arith.constant 0 : i32
      %dma_start3A_682 = arith.constant 0 : i32
      %dma_start3A_683 = tpu.memref_slice %arg3[%dma_start3A_681, %dma_start3A_682] : memref<1000000x64xf32, #tpu.memory_space<hbm>> -> memref<1000000x64xf32, #tpu.memory_space<hbm>>
      %dma_start3A_684 = tpu.memref_slice %arg7[%dma_start3A_673] : memref<8x!tpu.dma_semaphore, #tpu.memory_space<semaphore_mem>> -> memref<1x!tpu.dma_semaphore, #tpu.memory_space<semaphore_mem>>
      %dma_start3A_685 = tpu.memref_squeeze %dma_start3A_684 : memref<1x!tpu.dma_semaphore, #tpu.memory_space<semaphore_mem>> -> memref<!tpu.dma_semaphore, #tpu.memory_space<semaphore_mem>>
      tpu.enqueue_indirect_dma source(%dma_start3A_683 : memref<1000000x64xf32, #tpu.memory_space<hbm>>) target(%dma_start3A_677 : memref<128x64xf32, #tpu.memory_space<vmem>>) offsets(%dma_start3A_680 : memref<128xi32, #tpu.memory_space<vmem>>) semaphore(%dma_start3A_685 : memref<!tpu.dma_semaphore, #tpu.memory_space<semaphore_mem>>)
      %mul3A_686 = arith.constant 8 : i32
      %mul3A_687 = arith.muli %scan3A_534, %mul3A_686 : i32
      %add3A_688 = arith.constant 2 : i32
      %add3A_689 = arith.addi %mul3A_687, %add3A_688 : i32
      %add3A_690 = arith.constant 4 : i32
      %add3A_691 = arith.addi %add3A_689, %add3A_690 : i32
      %dma_wait3A_692 = arith.constant 6 : i32
      %dma_wait3A_693 = arith.constant 6 : i32
      %dma_wait3A_694 = arith.constant 0 : i32
      %dma_wait3A_695 = arith.constant 0 : i32
      %dma_wait3A_696 = tpu.memref_slice %arg6[%dma_wait3A_692, %dma_wait3A_694, %dma_wait3A_695] : memref<8x128x64xf32, #tpu.memory_space<vmem>> -> memref<1x128x64xf32, #tpu.memory_space<vmem>>
      %dma_wait3A_697 = tpu.memref_squeeze %dma_wait3A_696 : memref<1x128x64xf32, #tpu.memory_space<vmem>> -> memref<128x64xf32, #tpu.memory_space<vmem>>
      %dma_wait3A_698 = arith.constant 0 : i32
      %dma_wait3A_699 = tpu.memref_slice %arg5[%add3A_691, %dma_wait3A_698] : memref<200x128xi32, #tpu.memory_space<vmem>> -> memref<1x128xi32, #tpu.memory_space<vmem>>
      %dma_wait3A_700 = tpu.memref_squeeze %dma_wait3A_699 : memref<1x128xi32, #tpu.memory_space<vmem>> -> memref<128xi32, #tpu.memory_space<vmem>>
      %dma_wait3A_701 = arith.constant 0 : i32
      %dma_wait3A_702 = arith.constant 0 : i32
      %dma_wait3A_703 = tpu.memref_slice %arg3[%dma_wait3A_701, %dma_wait3A_702] : memref<1000000x64xf32, #tpu.memory_space<hbm>> -> memref<1000000x64xf32, #tpu.memory_space<hbm>>
      %dma_wait3A_704 = tpu.memref_slice %arg7[%dma_wait3A_693] : memref<8x!tpu.dma_semaphore, #tpu.memory_space<semaphore_mem>> -> memref<1x!tpu.dma_semaphore, #tpu.memory_space<semaphore_mem>>
      %dma_wait3A_705 = tpu.memref_squeeze %dma_wait3A_704 : memref<1x!tpu.dma_semaphore, #tpu.memory_space<semaphore_mem>> -> memref<!tpu.dma_semaphore, #tpu.memory_space<semaphore_mem>>
      tpu.wait_indirect_dma semaphore(%dma_wait3A_705 : memref<!tpu.dma_semaphore, #tpu.memory_space<semaphore_mem>>) src(%dma_wait3A_703 : memref<1000000x64xf32, #tpu.memory_space<hbm>>) dst(%dma_wait3A_697 : memref<128x64xf32, #tpu.memory_space<vmem>>)
      %mul3A_706 = arith.constant 128 : i32
      %mul3A_707 = arith.muli %add3A_691, %mul3A_706 : i32
      %add3A_708 = arith.addi %mul3A_2, %mul3A_707 : i32
      %dma_start3A_709 = arith.constant 6 : i32
      %dma_start3A_710 = arith.constant 6 : i32
      %dma_start3A_711 = arith.constant 0 : i32
      %dma_start3A_712 = arith.constant 0 : i32
      %dma_start3A_713 = tpu.memref_slice %arg6[%dma_start3A_709, %dma_start3A_711, %dma_start3A_712] : memref<8x128x64xf32, #tpu.memory_space<vmem>> -> memref<1x128x64xf32, #tpu.memory_space<vmem>>
      %dma_start3A_714 = tpu.memref_squeeze %dma_start3A_713 : memref<1x128x64xf32, #tpu.memory_space<vmem>> -> memref<128x64xf32, #tpu.memory_space<vmem>>
      %dma_start3A_715 = arith.constant 0 : i32
      %dma_start3A_716 = tpu.memref_slice %arg4[%add3A_708, %dma_start3A_715] : memref<819200x64xf32, #tpu.memory_space<hbm>> -> memref<128x64xf32, #tpu.memory_space<hbm>>
      %dma_start3A_717 = tpu.memref_slice %arg8[%dma_start3A_710] : memref<8x!tpu.dma_semaphore, #tpu.memory_space<semaphore_mem>> -> memref<1x!tpu.dma_semaphore, #tpu.memory_space<semaphore_mem>>
      %dma_start3A_718 = tpu.memref_squeeze %dma_start3A_717 : memref<1x!tpu.dma_semaphore, #tpu.memory_space<semaphore_mem>> -> memref<!tpu.dma_semaphore, #tpu.memory_space<semaphore_mem>>
      %dma_start3A_719 = arith.constant 0 : i32
      %dma_start3A_720 = tpu.memref_slice %arg4[%add3A_708, %dma_start3A_719] : memref<819200x64xf32, #tpu.memory_space<hbm>> -> memref<128x64xf32, #tpu.memory_space<hbm>>
      %dma_start3A_721 = arith.constant 0 : i32
      %dma_start3A_722 = arith.constant 0 : i32
      %dma_start3A_723 = tpu.memref_slice %arg6[%dma_start3A_709, %dma_start3A_721, %dma_start3A_722] : memref<8x128x64xf32, #tpu.memory_space<vmem>> -> memref<1x128x64xf32, #tpu.memory_space<vmem>>
      %dma_start3A_724 = tpu.memref_squeeze %dma_start3A_723 : memref<1x128x64xf32, #tpu.memory_space<vmem>> -> memref<128x64xf32, #tpu.memory_space<vmem>>
      tpu.enqueue_dma source(%dma_start3A_724 : memref<128x64xf32, #tpu.memory_space<vmem>>) target(%dma_start3A_720 : memref<128x64xf32, #tpu.memory_space<hbm>>) target_semaphore(%dma_start3A_718 : memref<!tpu.dma_semaphore, #tpu.memory_space<semaphore_mem>>)
      %sub3A_725 = arith.constant 4 : i32
      %sub3A_726 = arith.subi %add3A_691, %sub3A_725 : i32
      %mul3A_727 = arith.constant 128 : i32
      %mul3A_728 = arith.muli %sub3A_726, %mul3A_727 : i32
      %add3A_729 = arith.addi %mul3A_2, %mul3A_728 : i32
      %dma_wait3A_730 = arith.constant 2 : i32
      %dma_wait3A_731 = arith.constant 2 : i32
      %dma_wait3A_732 = arith.constant 0 : i32
      %dma_wait3A_733 = arith.constant 0 : i32
      %dma_wait3A_734 = tpu.memref_slice %arg6[%dma_wait3A_730, %dma_wait3A_732, %dma_wait3A_733] : memref<8x128x64xf32, #tpu.memory_space<vmem>> -> memref<1x128x64xf32, #tpu.memory_space<vmem>>
      %dma_wait3A_735 = tpu.memref_squeeze %dma_wait3A_734 : memref<1x128x64xf32, #tpu.memory_space<vmem>> -> memref<128x64xf32, #tpu.memory_space<vmem>>
      %dma_wait3A_736 = arith.constant 0 : i32
      %dma_wait3A_737 = tpu.memref_slice %arg4[%add3A_729, %dma_wait3A_736] : memref<819200x64xf32, #tpu.memory_space<hbm>> -> memref<128x64xf32, #tpu.memory_space<hbm>>
      %dma_wait3A_738 = tpu.memref_slice %arg8[%dma_wait3A_731] : memref<8x!tpu.dma_semaphore, #tpu.memory_space<semaphore_mem>> -> memref<1x!tpu.dma_semaphore, #tpu.memory_space<semaphore_mem>>
      %dma_wait3A_739 = tpu.memref_squeeze %dma_wait3A_738 : memref<1x!tpu.dma_semaphore, #tpu.memory_space<semaphore_mem>> -> memref<!tpu.dma_semaphore, #tpu.memory_space<semaphore_mem>>
      %dma_wait3A_740 = arith.constant 0 : i32
      %dma_wait3A_741 = tpu.memref_slice %arg4[%add3A_729, %dma_wait3A_740] : memref<819200x64xf32, #tpu.memory_space<hbm>> -> memref<128x64xf32, #tpu.memory_space<hbm>>
      %dma_wait3A_742 = arith.constant 0 : i32
      %dma_wait3A_743 = arith.constant 0 : i32
      %dma_wait3A_744 = tpu.memref_slice %arg6[%dma_wait3A_730, %dma_wait3A_742, %dma_wait3A_743] : memref<8x128x64xf32, #tpu.memory_space<vmem>> -> memref<1x128x64xf32, #tpu.memory_space<vmem>>
      %dma_wait3A_745 = tpu.memref_squeeze %dma_wait3A_744 : memref<1x128x64xf32, #tpu.memory_space<vmem>> -> memref<128x64xf32, #tpu.memory_space<vmem>>
      tpu.wait_dma2 semaphore(%dma_wait3A_739 : memref<!tpu.dma_semaphore, #tpu.memory_space<semaphore_mem>>) src(%dma_wait3A_745 : memref<128x64xf32, #tpu.memory_space<vmem>>) dst(%dma_wait3A_741 : memref<128x64xf32, #tpu.memory_space<hbm>>)
      %add3A_746 = arith.constant 4 : i32
      %add3A_747 = arith.addi %add3A_691, %add3A_746 : i32
      %dma_start3A_748 = arith.constant 2 : i32
      %dma_start3A_749 = arith.constant 2 : i32
      %dma_start3A_750 = arith.constant 0 : i32
      %dma_start3A_751 = arith.constant 0 : i32
      %dma_start3A_752 = tpu.memref_slice %arg6[%dma_start3A_748, %dma_start3A_750, %dma_start3A_751] : memref<8x128x64xf32, #tpu.memory_space<vmem>> -> memref<1x128x64xf32, #tpu.memory_space<vmem>>
      %dma_start3A_753 = tpu.memref_squeeze %dma_start3A_752 : memref<1x128x64xf32, #tpu.memory_space<vmem>> -> memref<128x64xf32, #tpu.memory_space<vmem>>
      %dma_start3A_754 = arith.constant 0 : i32
      %dma_start3A_755 = tpu.memref_slice %arg5[%add3A_747, %dma_start3A_754] : memref<200x128xi32, #tpu.memory_space<vmem>> -> memref<1x128xi32, #tpu.memory_space<vmem>>
      %dma_start3A_756 = tpu.memref_squeeze %dma_start3A_755 : memref<1x128xi32, #tpu.memory_space<vmem>> -> memref<128xi32, #tpu.memory_space<vmem>>
      %dma_start3A_757 = arith.constant 0 : i32
      %dma_start3A_758 = arith.constant 0 : i32
      %dma_start3A_759 = tpu.memref_slice %arg3[%dma_start3A_757, %dma_start3A_758] : memref<1000000x64xf32, #tpu.memory_space<hbm>> -> memref<1000000x64xf32, #tpu.memory_space<hbm>>
      %dma_start3A_760 = tpu.memref_slice %arg7[%dma_start3A_749] : memref<8x!tpu.dma_semaphore, #tpu.memory_space<semaphore_mem>> -> memref<1x!tpu.dma_semaphore, #tpu.memory_space<semaphore_mem>>
      %dma_start3A_761 = tpu.memref_squeeze %dma_start3A_760 : memref<1x!tpu.dma_semaphore, #tpu.memory_space<semaphore_mem>> -> memref<!tpu.dma_semaphore, #tpu.memory_space<semaphore_mem>>
      tpu.enqueue_indirect_dma source(%dma_start3A_759 : memref<1000000x64xf32, #tpu.memory_space<hbm>>) target(%dma_start3A_753 : memref<128x64xf32, #tpu.memory_space<vmem>>) offsets(%dma_start3A_756 : memref<128xi32, #tpu.memory_space<vmem>>) semaphore(%dma_start3A_761 : memref<!tpu.dma_semaphore, #tpu.memory_space<semaphore_mem>>)
      %mul3A_762 = arith.constant 8 : i32
      %mul3A_763 = arith.muli %scan3A_534, %mul3A_762 : i32
      %add3A_764 = arith.constant 3 : i32
      %add3A_765 = arith.addi %mul3A_763, %add3A_764 : i32
      %add3A_766 = arith.constant 4 : i32
      %add3A_767 = arith.addi %add3A_765, %add3A_766 : i32
      %dma_wait3A_768 = arith.constant 7 : i32
      %dma_wait3A_769 = arith.constant 7 : i32
      %dma_wait3A_770 = arith.constant 0 : i32
      %dma_wait3A_771 = arith.constant 0 : i32
      %dma_wait3A_772 = tpu.memref_slice %arg6[%dma_wait3A_768, %dma_wait3A_770, %dma_wait3A_771] : memref<8x128x64xf32, #tpu.memory_space<vmem>> -> memref<1x128x64xf32, #tpu.memory_space<vmem>>
      %dma_wait3A_773 = tpu.memref_squeeze %dma_wait3A_772 : memref<1x128x64xf32, #tpu.memory_space<vmem>> -> memref<128x64xf32, #tpu.memory_space<vmem>>
      %dma_wait3A_774 = arith.constant 0 : i32
      %dma_wait3A_775 = tpu.memref_slice %arg5[%add3A_767, %dma_wait3A_774] : memref<200x128xi32, #tpu.memory_space<vmem>> -> memref<1x128xi32, #tpu.memory_space<vmem>>
      %dma_wait3A_776 = tpu.memref_squeeze %dma_wait3A_775 : memref<1x128xi32, #tpu.memory_space<vmem>> -> memref<128xi32, #tpu.memory_space<vmem>>
      %dma_wait3A_777 = arith.constant 0 : i32
      %dma_wait3A_778 = arith.constant 0 : i32
      %dma_wait3A_779 = tpu.memref_slice %arg3[%dma_wait3A_777, %dma_wait3A_778] : memref<1000000x64xf32, #tpu.memory_space<hbm>> -> memref<1000000x64xf32, #tpu.memory_space<hbm>>
      %dma_wait3A_780 = tpu.memref_slice %arg7[%dma_wait3A_769] : memref<8x!tpu.dma_semaphore, #tpu.memory_space<semaphore_mem>> -> memref<1x!tpu.dma_semaphore, #tpu.memory_space<semaphore_mem>>
      %dma_wait3A_781 = tpu.memref_squeeze %dma_wait3A_780 : memref<1x!tpu.dma_semaphore, #tpu.memory_space<semaphore_mem>> -> memref<!tpu.dma_semaphore, #tpu.memory_space<semaphore_mem>>
      tpu.wait_indirect_dma semaphore(%dma_wait3A_781 : memref<!tpu.dma_semaphore, #tpu.memory_space<semaphore_mem>>) src(%dma_wait3A_779 : memref<1000000x64xf32, #tpu.memory_space<hbm>>) dst(%dma_wait3A_773 : memref<128x64xf32, #tpu.memory_space<vmem>>)
      %mul3A_782 = arith.constant 128 : i32
      %mul3A_783 = arith.muli %add3A_767, %mul3A_782 : i32
      %add3A_784 = arith.addi %mul3A_2, %mul3A_783 : i32
      %dma_start3A_785 = arith.constant 7 : i32
      %dma_start3A_786 = arith.constant 7 : i32
      %dma_start3A_787 = arith.constant 0 : i32
      %dma_start3A_788 = arith.constant 0 : i32
      %dma_start3A_789 = tpu.memref_slice %arg6[%dma_start3A_785, %dma_start3A_787, %dma_start3A_788] : memref<8x128x64xf32, #tpu.memory_space<vmem>> -> memref<1x128x64xf32, #tpu.memory_space<vmem>>
      %dma_start3A_790 = tpu.memref_squeeze %dma_start3A_789 : memref<1x128x64xf32, #tpu.memory_space<vmem>> -> memref<128x64xf32, #tpu.memory_space<vmem>>
      %dma_start3A_791 = arith.constant 0 : i32
      %dma_start3A_792 = tpu.memref_slice %arg4[%add3A_784, %dma_start3A_791] : memref<819200x64xf32, #tpu.memory_space<hbm>> -> memref<128x64xf32, #tpu.memory_space<hbm>>
      %dma_start3A_793 = tpu.memref_slice %arg8[%dma_start3A_786] : memref<8x!tpu.dma_semaphore, #tpu.memory_space<semaphore_mem>> -> memref<1x!tpu.dma_semaphore, #tpu.memory_space<semaphore_mem>>
      %dma_start3A_794 = tpu.memref_squeeze %dma_start3A_793 : memref<1x!tpu.dma_semaphore, #tpu.memory_space<semaphore_mem>> -> memref<!tpu.dma_semaphore, #tpu.memory_space<semaphore_mem>>
      %dma_start3A_795 = arith.constant 0 : i32
      %dma_start3A_796 = tpu.memref_slice %arg4[%add3A_784, %dma_start3A_795] : memref<819200x64xf32, #tpu.memory_space<hbm>> -> memref<128x64xf32, #tpu.memory_space<hbm>>
      %dma_start3A_797 = arith.constant 0 : i32
      %dma_start3A_798 = arith.constant 0 : i32
      %dma_start3A_799 = tpu.memref_slice %arg6[%dma_start3A_785, %dma_start3A_797, %dma_start3A_798] : memref<8x128x64xf32, #tpu.memory_space<vmem>> -> memref<1x128x64xf32, #tpu.memory_space<vmem>>
      %dma_start3A_800 = tpu.memref_squeeze %dma_start3A_799 : memref<1x128x64xf32, #tpu.memory_space<vmem>> -> memref<128x64xf32, #tpu.memory_space<vmem>>
      tpu.enqueue_dma source(%dma_start3A_800 : memref<128x64xf32, #tpu.memory_space<vmem>>) target(%dma_start3A_796 : memref<128x64xf32, #tpu.memory_space<hbm>>) target_semaphore(%dma_start3A_794 : memref<!tpu.dma_semaphore, #tpu.memory_space<semaphore_mem>>)
      %sub3A_801 = arith.constant 4 : i32
      %sub3A_802 = arith.subi %add3A_767, %sub3A_801 : i32
      %mul3A_803 = arith.constant 128 : i32
      %mul3A_804 = arith.muli %sub3A_802, %mul3A_803 : i32
      %add3A_805 = arith.addi %mul3A_2, %mul3A_804 : i32
      %dma_wait3A_806 = arith.constant 3 : i32
      %dma_wait3A_807 = arith.constant 3 : i32
      %dma_wait3A_808 = arith.constant 0 : i32
      %dma_wait3A_809 = arith.constant 0 : i32
      %dma_wait3A_810 = tpu.memref_slice %arg6[%dma_wait3A_806, %dma_wait3A_808, %dma_wait3A_809] : memref<8x128x64xf32, #tpu.memory_space<vmem>> -> memref<1x128x64xf32, #tpu.memory_space<vmem>>
      %dma_wait3A_811 = tpu.memref_squeeze %dma_wait3A_810 : memref<1x128x64xf32, #tpu.memory_space<vmem>> -> memref<128x64xf32, #tpu.memory_space<vmem>>
      %dma_wait3A_812 = arith.constant 0 : i32
      %dma_wait3A_813 = tpu.memref_slice %arg4[%add3A_805, %dma_wait3A_812] : memref<819200x64xf32, #tpu.memory_space<hbm>> -> memref<128x64xf32, #tpu.memory_space<hbm>>
      %dma_wait3A_814 = tpu.memref_slice %arg8[%dma_wait3A_807] : memref<8x!tpu.dma_semaphore, #tpu.memory_space<semaphore_mem>> -> memref<1x!tpu.dma_semaphore, #tpu.memory_space<semaphore_mem>>
      %dma_wait3A_815 = tpu.memref_squeeze %dma_wait3A_814 : memref<1x!tpu.dma_semaphore, #tpu.memory_space<semaphore_mem>> -> memref<!tpu.dma_semaphore, #tpu.memory_space<semaphore_mem>>
      %dma_wait3A_816 = arith.constant 0 : i32
      %dma_wait3A_817 = tpu.memref_slice %arg4[%add3A_805, %dma_wait3A_816] : memref<819200x64xf32, #tpu.memory_space<hbm>> -> memref<128x64xf32, #tpu.memory_space<hbm>>
      %dma_wait3A_818 = arith.constant 0 : i32
      %dma_wait3A_819 = arith.constant 0 : i32
      %dma_wait3A_820 = tpu.memref_slice %arg6[%dma_wait3A_806, %dma_wait3A_818, %dma_wait3A_819] : memref<8x128x64xf32, #tpu.memory_space<vmem>> -> memref<1x128x64xf32, #tpu.memory_space<vmem>>
      %dma_wait3A_821 = tpu.memref_squeeze %dma_wait3A_820 : memref<1x128x64xf32, #tpu.memory_space<vmem>> -> memref<128x64xf32, #tpu.memory_space<vmem>>
      tpu.wait_dma2 semaphore(%dma_wait3A_815 : memref<!tpu.dma_semaphore, #tpu.memory_space<semaphore_mem>>) src(%dma_wait3A_821 : memref<128x64xf32, #tpu.memory_space<vmem>>) dst(%dma_wait3A_817 : memref<128x64xf32, #tpu.memory_space<hbm>>)
      %add3A_822 = arith.constant 4 : i32
      %add3A_823 = arith.addi %add3A_767, %add3A_822 : i32
      %dma_start3A_824 = arith.constant 3 : i32
      %dma_start3A_825 = arith.constant 3 : i32
      %dma_start3A_826 = arith.constant 0 : i32
      %dma_start3A_827 = arith.constant 0 : i32
      %dma_start3A_828 = tpu.memref_slice %arg6[%dma_start3A_824, %dma_start3A_826, %dma_start3A_827] : memref<8x128x64xf32, #tpu.memory_space<vmem>> -> memref<1x128x64xf32, #tpu.memory_space<vmem>>
      %dma_start3A_829 = tpu.memref_squeeze %dma_start3A_828 : memref<1x128x64xf32, #tpu.memory_space<vmem>> -> memref<128x64xf32, #tpu.memory_space<vmem>>
      %dma_start3A_830 = arith.constant 0 : i32
      %dma_start3A_831 = tpu.memref_slice %arg5[%add3A_823, %dma_start3A_830] : memref<200x128xi32, #tpu.memory_space<vmem>> -> memref<1x128xi32, #tpu.memory_space<vmem>>
      %dma_start3A_832 = tpu.memref_squeeze %dma_start3A_831 : memref<1x128xi32, #tpu.memory_space<vmem>> -> memref<128xi32, #tpu.memory_space<vmem>>
      %dma_start3A_833 = arith.constant 0 : i32
      %dma_start3A_834 = arith.constant 0 : i32
      %dma_start3A_835 = tpu.memref_slice %arg3[%dma_start3A_833, %dma_start3A_834] : memref<1000000x64xf32, #tpu.memory_space<hbm>> -> memref<1000000x64xf32, #tpu.memory_space<hbm>>
      %dma_start3A_836 = tpu.memref_slice %arg7[%dma_start3A_825] : memref<8x!tpu.dma_semaphore, #tpu.memory_space<semaphore_mem>> -> memref<1x!tpu.dma_semaphore, #tpu.memory_space<semaphore_mem>>
      %dma_start3A_837 = tpu.memref_squeeze %dma_start3A_836 : memref<1x!tpu.dma_semaphore, #tpu.memory_space<semaphore_mem>> -> memref<!tpu.dma_semaphore, #tpu.memory_space<semaphore_mem>>
      tpu.enqueue_indirect_dma source(%dma_start3A_835 : memref<1000000x64xf32, #tpu.memory_space<hbm>>) target(%dma_start3A_829 : memref<128x64xf32, #tpu.memory_space<vmem>>) offsets(%dma_start3A_832 : memref<128xi32, #tpu.memory_space<vmem>>) semaphore(%dma_start3A_837 : memref<!tpu.dma_semaphore, #tpu.memory_space<semaphore_mem>>)
      %mul3A_838 = arith.constant 8 : i32
      %mul3A_839 = arith.muli %scan3A_534, %mul3A_838 : i32
      %add3A_840 = arith.constant 4 : i32
      %add3A_841 = arith.addi %mul3A_839, %add3A_840 : i32
      %add3A_842 = arith.constant 4 : i32
      %add3A_843 = arith.addi %add3A_841, %add3A_842 : i32
      %dma_wait3A_844 = arith.constant 0 : i32
      %dma_wait3A_845 = arith.constant 0 : i32
      %dma_wait3A_846 = arith.constant 0 : i32
      %dma_wait3A_847 = arith.constant 0 : i32
      %dma_wait3A_848 = tpu.memref_slice %arg6[%dma_wait3A_844, %dma_wait3A_846, %dma_wait3A_847] : memref<8x128x64xf32, #tpu.memory_space<vmem>> -> memref<1x128x64xf32, #tpu.memory_space<vmem>>
      %dma_wait3A_849 = tpu.memref_squeeze %dma_wait3A_848 : memref<1x128x64xf32, #tpu.memory_space<vmem>> -> memref<128x64xf32, #tpu.memory_space<vmem>>
      %dma_wait3A_850 = arith.constant 0 : i32
      %dma_wait3A_851 = tpu.memref_slice %arg5[%add3A_843, %dma_wait3A_850] : memref<200x128xi32, #tpu.memory_space<vmem>> -> memref<1x128xi32, #tpu.memory_space<vmem>>
      %dma_wait3A_852 = tpu.memref_squeeze %dma_wait3A_851 : memref<1x128xi32, #tpu.memory_space<vmem>> -> memref<128xi32, #tpu.memory_space<vmem>>
      %dma_wait3A_853 = arith.constant 0 : i32
      %dma_wait3A_854 = arith.constant 0 : i32
      %dma_wait3A_855 = tpu.memref_slice %arg3[%dma_wait3A_853, %dma_wait3A_854] : memref<1000000x64xf32, #tpu.memory_space<hbm>> -> memref<1000000x64xf32, #tpu.memory_space<hbm>>
      %dma_wait3A_856 = tpu.memref_slice %arg7[%dma_wait3A_845] : memref<8x!tpu.dma_semaphore, #tpu.memory_space<semaphore_mem>> -> memref<1x!tpu.dma_semaphore, #tpu.memory_space<semaphore_mem>>
      %dma_wait3A_857 = tpu.memref_squeeze %dma_wait3A_856 : memref<1x!tpu.dma_semaphore, #tpu.memory_space<semaphore_mem>> -> memref<!tpu.dma_semaphore, #tpu.memory_space<semaphore_mem>>
      tpu.wait_indirect_dma semaphore(%dma_wait3A_857 : memref<!tpu.dma_semaphore, #tpu.memory_space<semaphore_mem>>) src(%dma_wait3A_855 : memref<1000000x64xf32, #tpu.memory_space<hbm>>) dst(%dma_wait3A_849 : memref<128x64xf32, #tpu.memory_space<vmem>>)
      %mul3A_858 = arith.constant 128 : i32
      %mul3A_859 = arith.muli %add3A_843, %mul3A_858 : i32
      %add3A_860 = arith.addi %mul3A_2, %mul3A_859 : i32
      %dma_start3A_861 = arith.constant 0 : i32
      %dma_start3A_862 = arith.constant 0 : i32
      %dma_start3A_863 = arith.constant 0 : i32
      %dma_start3A_864 = arith.constant 0 : i32
      %dma_start3A_865 = tpu.memref_slice %arg6[%dma_start3A_861, %dma_start3A_863, %dma_start3A_864] : memref<8x128x64xf32, #tpu.memory_space<vmem>> -> memref<1x128x64xf32, #tpu.memory_space<vmem>>
      %dma_start3A_866 = tpu.memref_squeeze %dma_start3A_865 : memref<1x128x64xf32, #tpu.memory_space<vmem>> -> memref<128x64xf32, #tpu.memory_space<vmem>>
      %dma_start3A_867 = arith.constant 0 : i32
      %dma_start3A_868 = tpu.memref_slice %arg4[%add3A_860, %dma_start3A_867] : memref<819200x64xf32, #tpu.memory_space<hbm>> -> memref<128x64xf32, #tpu.memory_space<hbm>>
      %dma_start3A_869 = tpu.memref_slice %arg8[%dma_start3A_862] : memref<8x!tpu.dma_semaphore, #tpu.memory_space<semaphore_mem>> -> memref<1x!tpu.dma_semaphore, #tpu.memory_space<semaphore_mem>>
      %dma_start3A_870 = tpu.memref_squeeze %dma_start3A_869 : memref<1x!tpu.dma_semaphore, #tpu.memory_space<semaphore_mem>> -> memref<!tpu.dma_semaphore, #tpu.memory_space<semaphore_mem>>
      %dma_start3A_871 = arith.constant 0 : i32
      %dma_start3A_872 = tpu.memref_slice %arg4[%add3A_860, %dma_start3A_871] : memref<819200x64xf32, #tpu.memory_space<hbm>> -> memref<128x64xf32, #tpu.memory_space<hbm>>
      %dma_start3A_873 = arith.constant 0 : i32
      %dma_start3A_874 = arith.constant 0 : i32
      %dma_start3A_875 = tpu.memref_slice %arg6[%dma_start3A_861, %dma_start3A_873, %dma_start3A_874] : memref<8x128x64xf32, #tpu.memory_space<vmem>> -> memref<1x128x64xf32, #tpu.memory_space<vmem>>
      %dma_start3A_876 = tpu.memref_squeeze %dma_start3A_875 : memref<1x128x64xf32, #tpu.memory_space<vmem>> -> memref<128x64xf32, #tpu.memory_space<vmem>>
      tpu.enqueue_dma source(%dma_start3A_876 : memref<128x64xf32, #tpu.memory_space<vmem>>) target(%dma_start3A_872 : memref<128x64xf32, #tpu.memory_space<hbm>>) target_semaphore(%dma_start3A_870 : memref<!tpu.dma_semaphore, #tpu.memory_space<semaphore_mem>>)
      %sub3A_877 = arith.constant 4 : i32
      %sub3A_878 = arith.subi %add3A_843, %sub3A_877 : i32
      %mul3A_879 = arith.constant 128 : i32
      %mul3A_880 = arith.muli %sub3A_878, %mul3A_879 : i32
      %add3A_881 = arith.addi %mul3A_2, %mul3A_880 : i32
      %dma_wait3A_882 = arith.constant 4 : i32
      %dma_wait3A_883 = arith.constant 4 : i32
      %dma_wait3A_884 = arith.constant 0 : i32
      %dma_wait3A_885 = arith.constant 0 : i32
      %dma_wait3A_886 = tpu.memref_slice %arg6[%dma_wait3A_882, %dma_wait3A_884, %dma_wait3A_885] : memref<8x128x64xf32, #tpu.memory_space<vmem>> -> memref<1x128x64xf32, #tpu.memory_space<vmem>>
      %dma_wait3A_887 = tpu.memref_squeeze %dma_wait3A_886 : memref<1x128x64xf32, #tpu.memory_space<vmem>> -> memref<128x64xf32, #tpu.memory_space<vmem>>
      %dma_wait3A_888 = arith.constant 0 : i32
      %dma_wait3A_889 = tpu.memref_slice %arg4[%add3A_881, %dma_wait3A_888] : memref<819200x64xf32, #tpu.memory_space<hbm>> -> memref<128x64xf32, #tpu.memory_space<hbm>>
      %dma_wait3A_890 = tpu.memref_slice %arg8[%dma_wait3A_883] : memref<8x!tpu.dma_semaphore, #tpu.memory_space<semaphore_mem>> -> memref<1x!tpu.dma_semaphore, #tpu.memory_space<semaphore_mem>>
      %dma_wait3A_891 = tpu.memref_squeeze %dma_wait3A_890 : memref<1x!tpu.dma_semaphore, #tpu.memory_space<semaphore_mem>> -> memref<!tpu.dma_semaphore, #tpu.memory_space<semaphore_mem>>
      %dma_wait3A_892 = arith.constant 0 : i32
      %dma_wait3A_893 = tpu.memref_slice %arg4[%add3A_881, %dma_wait3A_892] : memref<819200x64xf32, #tpu.memory_space<hbm>> -> memref<128x64xf32, #tpu.memory_space<hbm>>
      %dma_wait3A_894 = arith.constant 0 : i32
      %dma_wait3A_895 = arith.constant 0 : i32
      %dma_wait3A_896 = tpu.memref_slice %arg6[%dma_wait3A_882, %dma_wait3A_894, %dma_wait3A_895] : memref<8x128x64xf32, #tpu.memory_space<vmem>> -> memref<1x128x64xf32, #tpu.memory_space<vmem>>
      %dma_wait3A_897 = tpu.memref_squeeze %dma_wait3A_896 : memref<1x128x64xf32, #tpu.memory_space<vmem>> -> memref<128x64xf32, #tpu.memory_space<vmem>>
      tpu.wait_dma2 semaphore(%dma_wait3A_891 : memref<!tpu.dma_semaphore, #tpu.memory_space<semaphore_mem>>) src(%dma_wait3A_897 : memref<128x64xf32, #tpu.memory_space<vmem>>) dst(%dma_wait3A_893 : memref<128x64xf32, #tpu.memory_space<hbm>>)
      %add3A_898 = arith.constant 4 : i32
      %add3A_899 = arith.addi %add3A_843, %add3A_898 : i32
      %dma_start3A_900 = arith.constant 4 : i32
      %dma_start3A_901 = arith.constant 4 : i32
      %dma_start3A_902 = arith.constant 0 : i32
      %dma_start3A_903 = arith.constant 0 : i32
      %dma_start3A_904 = tpu.memref_slice %arg6[%dma_start3A_900, %dma_start3A_902, %dma_start3A_903] : memref<8x128x64xf32, #tpu.memory_space<vmem>> -> memref<1x128x64xf32, #tpu.memory_space<vmem>>
      %dma_start3A_905 = tpu.memref_squeeze %dma_start3A_904 : memref<1x128x64xf32, #tpu.memory_space<vmem>> -> memref<128x64xf32, #tpu.memory_space<vmem>>
      %dma_start3A_906 = arith.constant 0 : i32
      %dma_start3A_907 = tpu.memref_slice %arg5[%add3A_899, %dma_start3A_906] : memref<200x128xi32, #tpu.memory_space<vmem>> -> memref<1x128xi32, #tpu.memory_space<vmem>>
      %dma_start3A_908 = tpu.memref_squeeze %dma_start3A_907 : memref<1x128xi32, #tpu.memory_space<vmem>> -> memref<128xi32, #tpu.memory_space<vmem>>
      %dma_start3A_909 = arith.constant 0 : i32
      %dma_start3A_910 = arith.constant 0 : i32
      %dma_start3A_911 = tpu.memref_slice %arg3[%dma_start3A_909, %dma_start3A_910] : memref<1000000x64xf32, #tpu.memory_space<hbm>> -> memref<1000000x64xf32, #tpu.memory_space<hbm>>
      %dma_start3A_912 = tpu.memref_slice %arg7[%dma_start3A_901] : memref<8x!tpu.dma_semaphore, #tpu.memory_space<semaphore_mem>> -> memref<1x!tpu.dma_semaphore, #tpu.memory_space<semaphore_mem>>
      %dma_start3A_913 = tpu.memref_squeeze %dma_start3A_912 : memref<1x!tpu.dma_semaphore, #tpu.memory_space<semaphore_mem>> -> memref<!tpu.dma_semaphore, #tpu.memory_space<semaphore_mem>>
      tpu.enqueue_indirect_dma source(%dma_start3A_911 : memref<1000000x64xf32, #tpu.memory_space<hbm>>) target(%dma_start3A_905 : memref<128x64xf32, #tpu.memory_space<vmem>>) offsets(%dma_start3A_908 : memref<128xi32, #tpu.memory_space<vmem>>) semaphore(%dma_start3A_913 : memref<!tpu.dma_semaphore, #tpu.memory_space<semaphore_mem>>)
      %mul3A_914 = arith.constant 8 : i32
      %mul3A_915 = arith.muli %scan3A_534, %mul3A_914 : i32
      %add3A_916 = arith.constant 5 : i32
      %add3A_917 = arith.addi %mul3A_915, %add3A_916 : i32
      %add3A_918 = arith.constant 4 : i32
      %add3A_919 = arith.addi %add3A_917, %add3A_918 : i32
      %dma_wait3A_920 = arith.constant 1 : i32
      %dma_wait3A_921 = arith.constant 1 : i32
      %dma_wait3A_922 = arith.constant 0 : i32
      %dma_wait3A_923 = arith.constant 0 : i32
      %dma_wait3A_924 = tpu.memref_slice %arg6[%dma_wait3A_920, %dma_wait3A_922, %dma_wait3A_923] : memref<8x128x64xf32, #tpu.memory_space<vmem>> -> memref<1x128x64xf32, #tpu.memory_space<vmem>>
      %dma_wait3A_925 = tpu.memref_squeeze %dma_wait3A_924 : memref<1x128x64xf32, #tpu.memory_space<vmem>> -> memref<128x64xf32, #tpu.memory_space<vmem>>
      %dma_wait3A_926 = arith.constant 0 : i32
      %dma_wait3A_927 = tpu.memref_slice %arg5[%add3A_919, %dma_wait3A_926] : memref<200x128xi32, #tpu.memory_space<vmem>> -> memref<1x128xi32, #tpu.memory_space<vmem>>
      %dma_wait3A_928 = tpu.memref_squeeze %dma_wait3A_927 : memref<1x128xi32, #tpu.memory_space<vmem>> -> memref<128xi32, #tpu.memory_space<vmem>>
      %dma_wait3A_929 = arith.constant 0 : i32
      %dma_wait3A_930 = arith.constant 0 : i32
      %dma_wait3A_931 = tpu.memref_slice %arg3[%dma_wait3A_929, %dma_wait3A_930] : memref<1000000x64xf32, #tpu.memory_space<hbm>> -> memref<1000000x64xf32, #tpu.memory_space<hbm>>
      %dma_wait3A_932 = tpu.memref_slice %arg7[%dma_wait3A_921] : memref<8x!tpu.dma_semaphore, #tpu.memory_space<semaphore_mem>> -> memref<1x!tpu.dma_semaphore, #tpu.memory_space<semaphore_mem>>
      %dma_wait3A_933 = tpu.memref_squeeze %dma_wait3A_932 : memref<1x!tpu.dma_semaphore, #tpu.memory_space<semaphore_mem>> -> memref<!tpu.dma_semaphore, #tpu.memory_space<semaphore_mem>>
      tpu.wait_indirect_dma semaphore(%dma_wait3A_933 : memref<!tpu.dma_semaphore, #tpu.memory_space<semaphore_mem>>) src(%dma_wait3A_931 : memref<1000000x64xf32, #tpu.memory_space<hbm>>) dst(%dma_wait3A_925 : memref<128x64xf32, #tpu.memory_space<vmem>>)
      %mul3A_934 = arith.constant 128 : i32
      %mul3A_935 = arith.muli %add3A_919, %mul3A_934 : i32
      %add3A_936 = arith.addi %mul3A_2, %mul3A_935 : i32
      %dma_start3A_937 = arith.constant 1 : i32
      %dma_start3A_938 = arith.constant 1 : i32
      %dma_start3A_939 = arith.constant 0 : i32
      %dma_start3A_940 = arith.constant 0 : i32
      %dma_start3A_941 = tpu.memref_slice %arg6[%dma_start3A_937, %dma_start3A_939, %dma_start3A_940] : memref<8x128x64xf32, #tpu.memory_space<vmem>> -> memref<1x128x64xf32, #tpu.memory_space<vmem>>
      %dma_start3A_942 = tpu.memref_squeeze %dma_start3A_941 : memref<1x128x64xf32, #tpu.memory_space<vmem>> -> memref<128x64xf32, #tpu.memory_space<vmem>>
      %dma_start3A_943 = arith.constant 0 : i32
      %dma_start3A_944 = tpu.memref_slice %arg4[%add3A_936, %dma_start3A_943] : memref<819200x64xf32, #tpu.memory_space<hbm>> -> memref<128x64xf32, #tpu.memory_space<hbm>>
      %dma_start3A_945 = tpu.memref_slice %arg8[%dma_start3A_938] : memref<8x!tpu.dma_semaphore, #tpu.memory_space<semaphore_mem>> -> memref<1x!tpu.dma_semaphore, #tpu.memory_space<semaphore_mem>>
      %dma_start3A_946 = tpu.memref_squeeze %dma_start3A_945 : memref<1x!tpu.dma_semaphore, #tpu.memory_space<semaphore_mem>> -> memref<!tpu.dma_semaphore, #tpu.memory_space<semaphore_mem>>
      %dma_start3A_947 = arith.constant 0 : i32
      %dma_start3A_948 = tpu.memref_slice %arg4[%add3A_936, %dma_start3A_947] : memref<819200x64xf32, #tpu.memory_space<hbm>> -> memref<128x64xf32, #tpu.memory_space<hbm>>
      %dma_start3A_949 = arith.constant 0 : i32
      %dma_start3A_950 = arith.constant 0 : i32
      %dma_start3A_951 = tpu.memref_slice %arg6[%dma_start3A_937, %dma_start3A_949, %dma_start3A_950] : memref<8x128x64xf32, #tpu.memory_space<vmem>> -> memref<1x128x64xf32, #tpu.memory_space<vmem>>
      %dma_start3A_952 = tpu.memref_squeeze %dma_start3A_951 : memref<1x128x64xf32, #tpu.memory_space<vmem>> -> memref<128x64xf32, #tpu.memory_space<vmem>>
      tpu.enqueue_dma source(%dma_start3A_952 : memref<128x64xf32, #tpu.memory_space<vmem>>) target(%dma_start3A_948 : memref<128x64xf32, #tpu.memory_space<hbm>>) target_semaphore(%dma_start3A_946 : memref<!tpu.dma_semaphore, #tpu.memory_space<semaphore_mem>>)
      %sub3A_953 = arith.constant 4 : i32
      %sub3A_954 = arith.subi %add3A_919, %sub3A_953 : i32
      %mul3A_955 = arith.constant 128 : i32
      %mul3A_956 = arith.muli %sub3A_954, %mul3A_955 : i32
      %add3A_957 = arith.addi %mul3A_2, %mul3A_956 : i32
      %dma_wait3A_958 = arith.constant 5 : i32
      %dma_wait3A_959 = arith.constant 5 : i32
      %dma_wait3A_960 = arith.constant 0 : i32
      %dma_wait3A_961 = arith.constant 0 : i32
      %dma_wait3A_962 = tpu.memref_slice %arg6[%dma_wait3A_958, %dma_wait3A_960, %dma_wait3A_961] : memref<8x128x64xf32, #tpu.memory_space<vmem>> -> memref<1x128x64xf32, #tpu.memory_space<vmem>>
      %dma_wait3A_963 = tpu.memref_squeeze %dma_wait3A_962 : memref<1x128x64xf32, #tpu.memory_space<vmem>> -> memref<128x64xf32, #tpu.memory_space<vmem>>
      %dma_wait3A_964 = arith.constant 0 : i32
      %dma_wait3A_965 = tpu.memref_slice %arg4[%add3A_957, %dma_wait3A_964] : memref<819200x64xf32, #tpu.memory_space<hbm>> -> memref<128x64xf32, #tpu.memory_space<hbm>>
      %dma_wait3A_966 = tpu.memref_slice %arg8[%dma_wait3A_959] : memref<8x!tpu.dma_semaphore, #tpu.memory_space<semaphore_mem>> -> memref<1x!tpu.dma_semaphore, #tpu.memory_space<semaphore_mem>>
      %dma_wait3A_967 = tpu.memref_squeeze %dma_wait3A_966 : memref<1x!tpu.dma_semaphore, #tpu.memory_space<semaphore_mem>> -> memref<!tpu.dma_semaphore, #tpu.memory_space<semaphore_mem>>
      %dma_wait3A_968 = arith.constant 0 : i32
      %dma_wait3A_969 = tpu.memref_slice %arg4[%add3A_957, %dma_wait3A_968] : memref<819200x64xf32, #tpu.memory_space<hbm>> -> memref<128x64xf32, #tpu.memory_space<hbm>>
      %dma_wait3A_970 = arith.constant 0 : i32
      %dma_wait3A_971 = arith.constant 0 : i32
      %dma_wait3A_972 = tpu.memref_slice %arg6[%dma_wait3A_958, %dma_wait3A_970, %dma_wait3A_971] : memref<8x128x64xf32, #tpu.memory_space<vmem>> -> memref<1x128x64xf32, #tpu.memory_space<vmem>>
      %dma_wait3A_973 = tpu.memref_squeeze %dma_wait3A_972 : memref<1x128x64xf32, #tpu.memory_space<vmem>> -> memref<128x64xf32, #tpu.memory_space<vmem>>
      tpu.wait_dma2 semaphore(%dma_wait3A_967 : memref<!tpu.dma_semaphore, #tpu.memory_space<semaphore_mem>>) src(%dma_wait3A_973 : memref<128x64xf32, #tpu.memory_space<vmem>>) dst(%dma_wait3A_969 : memref<128x64xf32, #tpu.memory_space<hbm>>)
      %add3A_974 = arith.constant 4 : i32
      %add3A_975 = arith.addi %add3A_919, %add3A_974 : i32
      %dma_start3A_976 = arith.constant 5 : i32
      %dma_start3A_977 = arith.constant 5 : i32
      %dma_start3A_978 = arith.constant 0 : i32
      %dma_start3A_979 = arith.constant 0 : i32
      %dma_start3A_980 = tpu.memref_slice %arg6[%dma_start3A_976, %dma_start3A_978, %dma_start3A_979] : memref<8x128x64xf32, #tpu.memory_space<vmem>> -> memref<1x128x64xf32, #tpu.memory_space<vmem>>
      %dma_start3A_981 = tpu.memref_squeeze %dma_start3A_980 : memref<1x128x64xf32, #tpu.memory_space<vmem>> -> memref<128x64xf32, #tpu.memory_space<vmem>>
      %dma_start3A_982 = arith.constant 0 : i32
      %dma_start3A_983 = tpu.memref_slice %arg5[%add3A_975, %dma_start3A_982] : memref<200x128xi32, #tpu.memory_space<vmem>> -> memref<1x128xi32, #tpu.memory_space<vmem>>
      %dma_start3A_984 = tpu.memref_squeeze %dma_start3A_983 : memref<1x128xi32, #tpu.memory_space<vmem>> -> memref<128xi32, #tpu.memory_space<vmem>>
      %dma_start3A_985 = arith.constant 0 : i32
      %dma_start3A_986 = arith.constant 0 : i32
      %dma_start3A_987 = tpu.memref_slice %arg3[%dma_start3A_985, %dma_start3A_986] : memref<1000000x64xf32, #tpu.memory_space<hbm>> -> memref<1000000x64xf32, #tpu.memory_space<hbm>>
      %dma_start3A_988 = tpu.memref_slice %arg7[%dma_start3A_977] : memref<8x!tpu.dma_semaphore, #tpu.memory_space<semaphore_mem>> -> memref<1x!tpu.dma_semaphore, #tpu.memory_space<semaphore_mem>>
      %dma_start3A_989 = tpu.memref_squeeze %dma_start3A_988 : memref<1x!tpu.dma_semaphore, #tpu.memory_space<semaphore_mem>> -> memref<!tpu.dma_semaphore, #tpu.memory_space<semaphore_mem>>
      tpu.enqueue_indirect_dma source(%dma_start3A_987 : memref<1000000x64xf32, #tpu.memory_space<hbm>>) target(%dma_start3A_981 : memref<128x64xf32, #tpu.memory_space<vmem>>) offsets(%dma_start3A_984 : memref<128xi32, #tpu.memory_space<vmem>>) semaphore(%dma_start3A_989 : memref<!tpu.dma_semaphore, #tpu.memory_space<semaphore_mem>>)
      %mul3A_990 = arith.constant 8 : i32
      %mul3A_991 = arith.muli %scan3A_534, %mul3A_990 : i32
      %add3A_992 = arith.constant 6 : i32
      %add3A_993 = arith.addi %mul3A_991, %add3A_992 : i32
      %add3A_994 = arith.constant 4 : i32
      %add3A_995 = arith.addi %add3A_993, %add3A_994 : i32
      %dma_wait3A_996 = arith.constant 2 : i32
      %dma_wait3A_997 = arith.constant 2 : i32
      %dma_wait3A_998 = arith.constant 0 : i32
      %dma_wait3A_999 = arith.constant 0 : i32
      %dma_wait3A_1000 = tpu.memref_slice %arg6[%dma_wait3A_996, %dma_wait3A_998, %dma_wait3A_999] : memref<8x128x64xf32, #tpu.memory_space<vmem>> -> memref<1x128x64xf32, #tpu.memory_space<vmem>>
      %dma_wait3A_1001 = tpu.memref_squeeze %dma_wait3A_1000 : memref<1x128x64xf32, #tpu.memory_space<vmem>> -> memref<128x64xf32, #tpu.memory_space<vmem>>
      %dma_wait3A_1002 = arith.constant 0 : i32
      %dma_wait3A_1003 = tpu.memref_slice %arg5[%add3A_995, %dma_wait3A_1002] : memref<200x128xi32, #tpu.memory_space<vmem>> -> memref<1x128xi32, #tpu.memory_space<vmem>>
      %dma_wait3A_1004 = tpu.memref_squeeze %dma_wait3A_1003 : memref<1x128xi32, #tpu.memory_space<vmem>> -> memref<128xi32, #tpu.memory_space<vmem>>
      %dma_wait3A_1005 = arith.constant 0 : i32
      %dma_wait3A_1006 = arith.constant 0 : i32
      %dma_wait3A_1007 = tpu.memref_slice %arg3[%dma_wait3A_1005, %dma_wait3A_1006] : memref<1000000x64xf32, #tpu.memory_space<hbm>> -> memref<1000000x64xf32, #tpu.memory_space<hbm>>
      %dma_wait3A_1008 = tpu.memref_slice %arg7[%dma_wait3A_997] : memref<8x!tpu.dma_semaphore, #tpu.memory_space<semaphore_mem>> -> memref<1x!tpu.dma_semaphore, #tpu.memory_space<semaphore_mem>>
      %dma_wait3A_1009 = tpu.memref_squeeze %dma_wait3A_1008 : memref<1x!tpu.dma_semaphore, #tpu.memory_space<semaphore_mem>> -> memref<!tpu.dma_semaphore, #tpu.memory_space<semaphore_mem>>
      tpu.wait_indirect_dma semaphore(%dma_wait3A_1009 : memref<!tpu.dma_semaphore, #tpu.memory_space<semaphore_mem>>) src(%dma_wait3A_1007 : memref<1000000x64xf32, #tpu.memory_space<hbm>>) dst(%dma_wait3A_1001 : memref<128x64xf32, #tpu.memory_space<vmem>>)
      %mul3A_1010 = arith.constant 128 : i32
      %mul3A_1011 = arith.muli %add3A_995, %mul3A_1010 : i32
      %add3A_1012 = arith.addi %mul3A_2, %mul3A_1011 : i32
      %dma_start3A_1013 = arith.constant 2 : i32
      %dma_start3A_1014 = arith.constant 2 : i32
      %dma_start3A_1015 = arith.constant 0 : i32
      %dma_start3A_1016 = arith.constant 0 : i32
      %dma_start3A_1017 = tpu.memref_slice %arg6[%dma_start3A_1013, %dma_start3A_1015, %dma_start3A_1016] : memref<8x128x64xf32, #tpu.memory_space<vmem>> -> memref<1x128x64xf32, #tpu.memory_space<vmem>>
      %dma_start3A_1018 = tpu.memref_squeeze %dma_start3A_1017 : memref<1x128x64xf32, #tpu.memory_space<vmem>> -> memref<128x64xf32, #tpu.memory_space<vmem>>
      %dma_start3A_1019 = arith.constant 0 : i32
      %dma_start3A_1020 = tpu.memref_slice %arg4[%add3A_1012, %dma_start3A_1019] : memref<819200x64xf32, #tpu.memory_space<hbm>> -> memref<128x64xf32, #tpu.memory_space<hbm>>
      %dma_start3A_1021 = tpu.memref_slice %arg8[%dma_start3A_1014] : memref<8x!tpu.dma_semaphore, #tpu.memory_space<semaphore_mem>> -> memref<1x!tpu.dma_semaphore, #tpu.memory_space<semaphore_mem>>
      %dma_start3A_1022 = tpu.memref_squeeze %dma_start3A_1021 : memref<1x!tpu.dma_semaphore, #tpu.memory_space<semaphore_mem>> -> memref<!tpu.dma_semaphore, #tpu.memory_space<semaphore_mem>>
      %dma_start3A_1023 = arith.constant 0 : i32
      %dma_start3A_1024 = tpu.memref_slice %arg4[%add3A_1012, %dma_start3A_1023] : memref<819200x64xf32, #tpu.memory_space<hbm>> -> memref<128x64xf32, #tpu.memory_space<hbm>>
      %dma_start3A_1025 = arith.constant 0 : i32
      %dma_start3A_1026 = arith.constant 0 : i32
      %dma_start3A_1027 = tpu.memref_slice %arg6[%dma_start3A_1013, %dma_start3A_1025, %dma_start3A_1026] : memref<8x128x64xf32, #tpu.memory_space<vmem>> -> memref<1x128x64xf32, #tpu.memory_space<vmem>>
      %dma_start3A_1028 = tpu.memref_squeeze %dma_start3A_1027 : memref<1x128x64xf32, #tpu.memory_space<vmem>> -> memref<128x64xf32, #tpu.memory_space<vmem>>
      tpu.enqueue_dma source(%dma_start3A_1028 : memref<128x64xf32, #tpu.memory_space<vmem>>) target(%dma_start3A_1024 : memref<128x64xf32, #tpu.memory_space<hbm>>) target_semaphore(%dma_start3A_1022 : memref<!tpu.dma_semaphore, #tpu.memory_space<semaphore_mem>>)
      %sub3A_1029 = arith.constant 4 : i32
      %sub3A_1030 = arith.subi %add3A_995, %sub3A_1029 : i32
      %mul3A_1031 = arith.constant 128 : i32
      %mul3A_1032 = arith.muli %sub3A_1030, %mul3A_1031 : i32
      %add3A_1033 = arith.addi %mul3A_2, %mul3A_1032 : i32
      %dma_wait3A_1034 = arith.constant 6 : i32
      %dma_wait3A_1035 = arith.constant 6 : i32
      %dma_wait3A_1036 = arith.constant 0 : i32
      %dma_wait3A_1037 = arith.constant 0 : i32
      %dma_wait3A_1038 = tpu.memref_slice %arg6[%dma_wait3A_1034, %dma_wait3A_1036, %dma_wait3A_1037] : memref<8x128x64xf32, #tpu.memory_space<vmem>> -> memref<1x128x64xf32, #tpu.memory_space<vmem>>
      %dma_wait3A_1039 = tpu.memref_squeeze %dma_wait3A_1038 : memref<1x128x64xf32, #tpu.memory_space<vmem>> -> memref<128x64xf32, #tpu.memory_space<vmem>>
      %dma_wait3A_1040 = arith.constant 0 : i32
      %dma_wait3A_1041 = tpu.memref_slice %arg4[%add3A_1033, %dma_wait3A_1040] : memref<819200x64xf32, #tpu.memory_space<hbm>> -> memref<128x64xf32, #tpu.memory_space<hbm>>
      %dma_wait3A_1042 = tpu.memref_slice %arg8[%dma_wait3A_1035] : memref<8x!tpu.dma_semaphore, #tpu.memory_space<semaphore_mem>> -> memref<1x!tpu.dma_semaphore, #tpu.memory_space<semaphore_mem>>
      %dma_wait3A_1043 = tpu.memref_squeeze %dma_wait3A_1042 : memref<1x!tpu.dma_semaphore, #tpu.memory_space<semaphore_mem>> -> memref<!tpu.dma_semaphore, #tpu.memory_space<semaphore_mem>>
      %dma_wait3A_1044 = arith.constant 0 : i32
      %dma_wait3A_1045 = tpu.memref_slice %arg4[%add3A_1033, %dma_wait3A_1044] : memref<819200x64xf32, #tpu.memory_space<hbm>> -> memref<128x64xf32, #tpu.memory_space<hbm>>
      %dma_wait3A_1046 = arith.constant 0 : i32
      %dma_wait3A_1047 = arith.constant 0 : i32
      %dma_wait3A_1048 = tpu.memref_slice %arg6[%dma_wait3A_1034, %dma_wait3A_1046, %dma_wait3A_1047] : memref<8x128x64xf32, #tpu.memory_space<vmem>> -> memref<1x128x64xf32, #tpu.memory_space<vmem>>
      %dma_wait3A_1049 = tpu.memref_squeeze %dma_wait3A_1048 : memref<1x128x64xf32, #tpu.memory_space<vmem>> -> memref<128x64xf32, #tpu.memory_space<vmem>>
      tpu.wait_dma2 semaphore(%dma_wait3A_1043 : memref<!tpu.dma_semaphore, #tpu.memory_space<semaphore_mem>>) src(%dma_wait3A_1049 : memref<128x64xf32, #tpu.memory_space<vmem>>) dst(%dma_wait3A_1045 : memref<128x64xf32, #tpu.memory_space<hbm>>)
      %add3A_1050 = arith.constant 4 : i32
      %add3A_1051 = arith.addi %add3A_995, %add3A_1050 : i32
      %dma_start3A_1052 = arith.constant 6 : i32
      %dma_start3A_1053 = arith.constant 6 : i32
      %dma_start3A_1054 = arith.constant 0 : i32
      %dma_start3A_1055 = arith.constant 0 : i32
      %dma_start3A_1056 = tpu.memref_slice %arg6[%dma_start3A_1052, %dma_start3A_1054, %dma_start3A_1055] : memref<8x128x64xf32, #tpu.memory_space<vmem>> -> memref<1x128x64xf32, #tpu.memory_space<vmem>>
      %dma_start3A_1057 = tpu.memref_squeeze %dma_start3A_1056 : memref<1x128x64xf32, #tpu.memory_space<vmem>> -> memref<128x64xf32, #tpu.memory_space<vmem>>
      %dma_start3A_1058 = arith.constant 0 : i32
      %dma_start3A_1059 = tpu.memref_slice %arg5[%add3A_1051, %dma_start3A_1058] : memref<200x128xi32, #tpu.memory_space<vmem>> -> memref<1x128xi32, #tpu.memory_space<vmem>>
      %dma_start3A_1060 = tpu.memref_squeeze %dma_start3A_1059 : memref<1x128xi32, #tpu.memory_space<vmem>> -> memref<128xi32, #tpu.memory_space<vmem>>
      %dma_start3A_1061 = arith.constant 0 : i32
      %dma_start3A_1062 = arith.constant 0 : i32
      %dma_start3A_1063 = tpu.memref_slice %arg3[%dma_start3A_1061, %dma_start3A_1062] : memref<1000000x64xf32, #tpu.memory_space<hbm>> -> memref<1000000x64xf32, #tpu.memory_space<hbm>>
      %dma_start3A_1064 = tpu.memref_slice %arg7[%dma_start3A_1053] : memref<8x!tpu.dma_semaphore, #tpu.memory_space<semaphore_mem>> -> memref<1x!tpu.dma_semaphore, #tpu.memory_space<semaphore_mem>>
      %dma_start3A_1065 = tpu.memref_squeeze %dma_start3A_1064 : memref<1x!tpu.dma_semaphore, #tpu.memory_space<semaphore_mem>> -> memref<!tpu.dma_semaphore, #tpu.memory_space<semaphore_mem>>
      tpu.enqueue_indirect_dma source(%dma_start3A_1063 : memref<1000000x64xf32, #tpu.memory_space<hbm>>) target(%dma_start3A_1057 : memref<128x64xf32, #tpu.memory_space<vmem>>) offsets(%dma_start3A_1060 : memref<128xi32, #tpu.memory_space<vmem>>) semaphore(%dma_start3A_1065 : memref<!tpu.dma_semaphore, #tpu.memory_space<semaphore_mem>>)
      %mul3A_1066 = arith.constant 8 : i32
      %mul3A_1067 = arith.muli %scan3A_534, %mul3A_1066 : i32
      %add3A_1068 = arith.constant 7 : i32
      %add3A_1069 = arith.addi %mul3A_1067, %add3A_1068 : i32
      %add3A_1070 = arith.constant 4 : i32
      %add3A_1071 = arith.addi %add3A_1069, %add3A_1070 : i32
      %dma_wait3A_1072 = arith.constant 3 : i32
      %dma_wait3A_1073 = arith.constant 3 : i32
      %dma_wait3A_1074 = arith.constant 0 : i32
      %dma_wait3A_1075 = arith.constant 0 : i32
      %dma_wait3A_1076 = tpu.memref_slice %arg6[%dma_wait3A_1072, %dma_wait3A_1074, %dma_wait3A_1075] : memref<8x128x64xf32, #tpu.memory_space<vmem>> -> memref<1x128x64xf32, #tpu.memory_space<vmem>>
      %dma_wait3A_1077 = tpu.memref_squeeze %dma_wait3A_1076 : memref<1x128x64xf32, #tpu.memory_space<vmem>> -> memref<128x64xf32, #tpu.memory_space<vmem>>
      %dma_wait3A_1078 = arith.constant 0 : i32
      %dma_wait3A_1079 = tpu.memref_slice %arg5[%add3A_1071, %dma_wait3A_1078] : memref<200x128xi32, #tpu.memory_space<vmem>> -> memref<1x128xi32, #tpu.memory_space<vmem>>
      %dma_wait3A_1080 = tpu.memref_squeeze %dma_wait3A_1079 : memref<1x128xi32, #tpu.memory_space<vmem>> -> memref<128xi32, #tpu.memory_space<vmem>>
      %dma_wait3A_1081 = arith.constant 0 : i32
      %dma_wait3A_1082 = arith.constant 0 : i32
      %dma_wait3A_1083 = tpu.memref_slice %arg3[%dma_wait3A_1081, %dma_wait3A_1082] : memref<1000000x64xf32, #tpu.memory_space<hbm>> -> memref<1000000x64xf32, #tpu.memory_space<hbm>>
      %dma_wait3A_1084 = tpu.memref_slice %arg7[%dma_wait3A_1073] : memref<8x!tpu.dma_semaphore, #tpu.memory_space<semaphore_mem>> -> memref<1x!tpu.dma_semaphore, #tpu.memory_space<semaphore_mem>>
      %dma_wait3A_1085 = tpu.memref_squeeze %dma_wait3A_1084 : memref<1x!tpu.dma_semaphore, #tpu.memory_space<semaphore_mem>> -> memref<!tpu.dma_semaphore, #tpu.memory_space<semaphore_mem>>
      tpu.wait_indirect_dma semaphore(%dma_wait3A_1085 : memref<!tpu.dma_semaphore, #tpu.memory_space<semaphore_mem>>) src(%dma_wait3A_1083 : memref<1000000x64xf32, #tpu.memory_space<hbm>>) dst(%dma_wait3A_1077 : memref<128x64xf32, #tpu.memory_space<vmem>>)
      %mul3A_1086 = arith.constant 128 : i32
      %mul3A_1087 = arith.muli %add3A_1071, %mul3A_1086 : i32
      %add3A_1088 = arith.addi %mul3A_2, %mul3A_1087 : i32
      %dma_start3A_1089 = arith.constant 3 : i32
      %dma_start3A_1090 = arith.constant 3 : i32
      %dma_start3A_1091 = arith.constant 0 : i32
      %dma_start3A_1092 = arith.constant 0 : i32
      %dma_start3A_1093 = tpu.memref_slice %arg6[%dma_start3A_1089, %dma_start3A_1091, %dma_start3A_1092] : memref<8x128x64xf32, #tpu.memory_space<vmem>> -> memref<1x128x64xf32, #tpu.memory_space<vmem>>
      %dma_start3A_1094 = tpu.memref_squeeze %dma_start3A_1093 : memref<1x128x64xf32, #tpu.memory_space<vmem>> -> memref<128x64xf32, #tpu.memory_space<vmem>>
      %dma_start3A_1095 = arith.constant 0 : i32
      %dma_start3A_1096 = tpu.memref_slice %arg4[%add3A_1088, %dma_start3A_1095] : memref<819200x64xf32, #tpu.memory_space<hbm>> -> memref<128x64xf32, #tpu.memory_space<hbm>>
      %dma_start3A_1097 = tpu.memref_slice %arg8[%dma_start3A_1090] : memref<8x!tpu.dma_semaphore, #tpu.memory_space<semaphore_mem>> -> memref<1x!tpu.dma_semaphore, #tpu.memory_space<semaphore_mem>>
      %dma_start3A_1098 = tpu.memref_squeeze %dma_start3A_1097 : memref<1x!tpu.dma_semaphore, #tpu.memory_space<semaphore_mem>> -> memref<!tpu.dma_semaphore, #tpu.memory_space<semaphore_mem>>
      %dma_start3A_1099 = arith.constant 0 : i32
      %dma_start3A_1100 = tpu.memref_slice %arg4[%add3A_1088, %dma_start3A_1099] : memref<819200x64xf32, #tpu.memory_space<hbm>> -> memref<128x64xf32, #tpu.memory_space<hbm>>
      %dma_start3A_1101 = arith.constant 0 : i32
      %dma_start3A_1102 = arith.constant 0 : i32
      %dma_start3A_1103 = tpu.memref_slice %arg6[%dma_start3A_1089, %dma_start3A_1101, %dma_start3A_1102] : memref<8x128x64xf32, #tpu.memory_space<vmem>> -> memref<1x128x64xf32, #tpu.memory_space<vmem>>
      %dma_start3A_1104 = tpu.memref_squeeze %dma_start3A_1103 : memref<1x128x64xf32, #tpu.memory_space<vmem>> -> memref<128x64xf32, #tpu.memory_space<vmem>>
      tpu.enqueue_dma source(%dma_start3A_1104 : memref<128x64xf32, #tpu.memory_space<vmem>>) target(%dma_start3A_1100 : memref<128x64xf32, #tpu.memory_space<hbm>>) target_semaphore(%dma_start3A_1098 : memref<!tpu.dma_semaphore, #tpu.memory_space<semaphore_mem>>)
      %sub3A_1105 = arith.constant 4 : i32
      %sub3A_1106 = arith.subi %add3A_1071, %sub3A_1105 : i32
      %mul3A_1107 = arith.constant 128 : i32
      %mul3A_1108 = arith.muli %sub3A_1106, %mul3A_1107 : i32
      %add3A_1109 = arith.addi %mul3A_2, %mul3A_1108 : i32
      %dma_wait3A_1110 = arith.constant 7 : i32
      %dma_wait3A_1111 = arith.constant 7 : i32
      %dma_wait3A_1112 = arith.constant 0 : i32
      %dma_wait3A_1113 = arith.constant 0 : i32
      %dma_wait3A_1114 = tpu.memref_slice %arg6[%dma_wait3A_1110, %dma_wait3A_1112, %dma_wait3A_1113] : memref<8x128x64xf32, #tpu.memory_space<vmem>> -> memref<1x128x64xf32, #tpu.memory_space<vmem>>
      %dma_wait3A_1115 = tpu.memref_squeeze %dma_wait3A_1114 : memref<1x128x64xf32, #tpu.memory_space<vmem>> -> memref<128x64xf32, #tpu.memory_space<vmem>>
      %dma_wait3A_1116 = arith.constant 0 : i32
      %dma_wait3A_1117 = tpu.memref_slice %arg4[%add3A_1109, %dma_wait3A_1116] : memref<819200x64xf32, #tpu.memory_space<hbm>> -> memref<128x64xf32, #tpu.memory_space<hbm>>
      %dma_wait3A_1118 = tpu.memref_slice %arg8[%dma_wait3A_1111] : memref<8x!tpu.dma_semaphore, #tpu.memory_space<semaphore_mem>> -> memref<1x!tpu.dma_semaphore, #tpu.memory_space<semaphore_mem>>
      %dma_wait3A_1119 = tpu.memref_squeeze %dma_wait3A_1118 : memref<1x!tpu.dma_semaphore, #tpu.memory_space<semaphore_mem>> -> memref<!tpu.dma_semaphore, #tpu.memory_space<semaphore_mem>>
      %dma_wait3A_1120 = arith.constant 0 : i32
      %dma_wait3A_1121 = tpu.memref_slice %arg4[%add3A_1109, %dma_wait3A_1120] : memref<819200x64xf32, #tpu.memory_space<hbm>> -> memref<128x64xf32, #tpu.memory_space<hbm>>
      %dma_wait3A_1122 = arith.constant 0 : i32
      %dma_wait3A_1123 = arith.constant 0 : i32
      %dma_wait3A_1124 = tpu.memref_slice %arg6[%dma_wait3A_1110, %dma_wait3A_1122, %dma_wait3A_1123] : memref<8x128x64xf32, #tpu.memory_space<vmem>> -> memref<1x128x64xf32, #tpu.memory_space<vmem>>
      %dma_wait3A_1125 = tpu.memref_squeeze %dma_wait3A_1124 : memref<1x128x64xf32, #tpu.memory_space<vmem>> -> memref<128x64xf32, #tpu.memory_space<vmem>>
      tpu.wait_dma2 semaphore(%dma_wait3A_1119 : memref<!tpu.dma_semaphore, #tpu.memory_space<semaphore_mem>>) src(%dma_wait3A_1125 : memref<128x64xf32, #tpu.memory_space<vmem>>) dst(%dma_wait3A_1121 : memref<128x64xf32, #tpu.memory_space<hbm>>)
      %add3A_1126 = arith.constant 4 : i32
      %add3A_1127 = arith.addi %add3A_1071, %add3A_1126 : i32
      %dma_start3A_1128 = arith.constant 7 : i32
      %dma_start3A_1129 = arith.constant 7 : i32
      %dma_start3A_1130 = arith.constant 0 : i32
      %dma_start3A_1131 = arith.constant 0 : i32
      %dma_start3A_1132 = tpu.memref_slice %arg6[%dma_start3A_1128, %dma_start3A_1130, %dma_start3A_1131] : memref<8x128x64xf32, #tpu.memory_space<vmem>> -> memref<1x128x64xf32, #tpu.memory_space<vmem>>
      %dma_start3A_1133 = tpu.memref_squeeze %dma_start3A_1132 : memref<1x128x64xf32, #tpu.memory_space<vmem>> -> memref<128x64xf32, #tpu.memory_space<vmem>>
      %dma_start3A_1134 = arith.constant 0 : i32
      %dma_start3A_1135 = tpu.memref_slice %arg5[%add3A_1127, %dma_start3A_1134] : memref<200x128xi32, #tpu.memory_space<vmem>> -> memref<1x128xi32, #tpu.memory_space<vmem>>
      %dma_start3A_1136 = tpu.memref_squeeze %dma_start3A_1135 : memref<1x128xi32, #tpu.memory_space<vmem>> -> memref<128xi32, #tpu.memory_space<vmem>>
      %dma_start3A_1137 = arith.constant 0 : i32
      %dma_start3A_1138 = arith.constant 0 : i32
      %dma_start3A_1139 = tpu.memref_slice %arg3[%dma_start3A_1137, %dma_start3A_1138] : memref<1000000x64xf32, #tpu.memory_space<hbm>> -> memref<1000000x64xf32, #tpu.memory_space<hbm>>
      %dma_start3A_1140 = tpu.memref_slice %arg7[%dma_start3A_1129] : memref<8x!tpu.dma_semaphore, #tpu.memory_space<semaphore_mem>> -> memref<1x!tpu.dma_semaphore, #tpu.memory_space<semaphore_mem>>
      %dma_start3A_1141 = tpu.memref_squeeze %dma_start3A_1140 : memref<1x!tpu.dma_semaphore, #tpu.memory_space<semaphore_mem>> -> memref<!tpu.dma_semaphore, #tpu.memory_space<semaphore_mem>>
      tpu.enqueue_indirect_dma source(%dma_start3A_1139 : memref<1000000x64xf32, #tpu.memory_space<hbm>>) target(%dma_start3A_1133 : memref<128x64xf32, #tpu.memory_space<vmem>>) offsets(%dma_start3A_1136 : memref<128xi32, #tpu.memory_space<vmem>>) semaphore(%dma_start3A_1141 : memref<!tpu.dma_semaphore, #tpu.memory_space<semaphore_mem>>)
    }
    %scan3A_257 = arith.constant 24 : i32
    %dma_wait3A_258 = arith.constant 196 : i32
    %dma_wait3A_259 = arith.constant 4 : i32
    %dma_wait3A_260 = arith.constant 4 : i32
    %dma_wait3A_261 = arith.constant 0 : i32
    %dma_wait3A_262 = arith.constant 0 : i32
    %dma_wait3A_263 = tpu.memref_slice %arg6[%dma_wait3A_259, %dma_wait3A_261, %dma_wait3A_262] : memref<8x128x64xf32, #tpu.memory_space<vmem>> -> memref<1x128x64xf32, #tpu.memory_space<vmem>>
    %dma_wait3A_264 = tpu.memref_squeeze %dma_wait3A_263 : memref<1x128x64xf32, #tpu.memory_space<vmem>> -> memref<128x64xf32, #tpu.memory_space<vmem>>
    %dma_wait3A_265 = arith.constant 0 : i32
    %dma_wait3A_266 = tpu.memref_slice %arg5[%dma_wait3A_258, %dma_wait3A_265] : memref<200x128xi32, #tpu.memory_space<vmem>> -> memref<1x128xi32, #tpu.memory_space<vmem>>
    %dma_wait3A_267 = tpu.memref_squeeze %dma_wait3A_266 : memref<1x128xi32, #tpu.memory_space<vmem>> -> memref<128xi32, #tpu.memory_space<vmem>>
    %dma_wait3A_268 = arith.constant 0 : i32
    %dma_wait3A_269 = arith.constant 0 : i32
    %dma_wait3A_270 = tpu.memref_slice %arg3[%dma_wait3A_268, %dma_wait3A_269] : memref<1000000x64xf32, #tpu.memory_space<hbm>> -> memref<1000000x64xf32, #tpu.memory_space<hbm>>
    %dma_wait3A_271 = tpu.memref_slice %arg7[%dma_wait3A_260] : memref<8x!tpu.dma_semaphore, #tpu.memory_space<semaphore_mem>> -> memref<1x!tpu.dma_semaphore, #tpu.memory_space<semaphore_mem>>
    %dma_wait3A_272 = tpu.memref_squeeze %dma_wait3A_271 : memref<1x!tpu.dma_semaphore, #tpu.memory_space<semaphore_mem>> -> memref<!tpu.dma_semaphore, #tpu.memory_space<semaphore_mem>>
    tpu.wait_indirect_dma semaphore(%dma_wait3A_272 : memref<!tpu.dma_semaphore, #tpu.memory_space<semaphore_mem>>) src(%dma_wait3A_270 : memref<1000000x64xf32, #tpu.memory_space<hbm>>) dst(%dma_wait3A_264 : memref<128x64xf32, #tpu.memory_space<vmem>>)
    %add3A_273 = arith.constant 25088 : i32
    %add3A_274 = arith.addi %mul3A_2, %add3A_273 : i32
    %dma_start3A_275 = arith.constant 4 : i32
    %dma_start3A_276 = arith.constant 4 : i32
    %dma_start3A_277 = arith.constant 0 : i32
    %dma_start3A_278 = arith.constant 0 : i32
    %dma_start3A_279 = tpu.memref_slice %arg6[%dma_start3A_275, %dma_start3A_277, %dma_start3A_278] : memref<8x128x64xf32, #tpu.memory_space<vmem>> -> memref<1x128x64xf32, #tpu.memory_space<vmem>>
    %dma_start3A_280 = tpu.memref_squeeze %dma_start3A_279 : memref<1x128x64xf32, #tpu.memory_space<vmem>> -> memref<128x64xf32, #tpu.memory_space<vmem>>
    %dma_start3A_281 = arith.constant 0 : i32
    %dma_start3A_282 = tpu.memref_slice %arg4[%add3A_274, %dma_start3A_281] : memref<819200x64xf32, #tpu.memory_space<hbm>> -> memref<128x64xf32, #tpu.memory_space<hbm>>
    %dma_start3A_283 = tpu.memref_slice %arg8[%dma_start3A_276] : memref<8x!tpu.dma_semaphore, #tpu.memory_space<semaphore_mem>> -> memref<1x!tpu.dma_semaphore, #tpu.memory_space<semaphore_mem>>
    %dma_start3A_284 = tpu.memref_squeeze %dma_start3A_283 : memref<1x!tpu.dma_semaphore, #tpu.memory_space<semaphore_mem>> -> memref<!tpu.dma_semaphore, #tpu.memory_space<semaphore_mem>>
    %dma_start3A_285 = arith.constant 0 : i32
    %dma_start3A_286 = tpu.memref_slice %arg4[%add3A_274, %dma_start3A_285] : memref<819200x64xf32, #tpu.memory_space<hbm>> -> memref<128x64xf32, #tpu.memory_space<hbm>>
    %dma_start3A_287 = arith.constant 0 : i32
    %dma_start3A_288 = arith.constant 0 : i32
    %dma_start3A_289 = tpu.memref_slice %arg6[%dma_start3A_275, %dma_start3A_287, %dma_start3A_288] : memref<8x128x64xf32, #tpu.memory_space<vmem>> -> memref<1x128x64xf32, #tpu.memory_space<vmem>>
    %dma_start3A_290 = tpu.memref_squeeze %dma_start3A_289 : memref<1x128x64xf32, #tpu.memory_space<vmem>> -> memref<128x64xf32, #tpu.memory_space<vmem>>
    tpu.enqueue_dma source(%dma_start3A_290 : memref<128x64xf32, #tpu.memory_space<vmem>>) target(%dma_start3A_286 : memref<128x64xf32, #tpu.memory_space<hbm>>) target_semaphore(%dma_start3A_284 : memref<!tpu.dma_semaphore, #tpu.memory_space<semaphore_mem>>)
    %dma_wait3A_291 = arith.constant 197 : i32
    %dma_wait3A_292 = arith.constant 5 : i32
    %dma_wait3A_293 = arith.constant 5 : i32
    %dma_wait3A_294 = arith.constant 0 : i32
    %dma_wait3A_295 = arith.constant 0 : i32
    %dma_wait3A_296 = tpu.memref_slice %arg6[%dma_wait3A_292, %dma_wait3A_294, %dma_wait3A_295] : memref<8x128x64xf32, #tpu.memory_space<vmem>> -> memref<1x128x64xf32, #tpu.memory_space<vmem>>
    %dma_wait3A_297 = tpu.memref_squeeze %dma_wait3A_296 : memref<1x128x64xf32, #tpu.memory_space<vmem>> -> memref<128x64xf32, #tpu.memory_space<vmem>>
    %dma_wait3A_298 = arith.constant 0 : i32
    %dma_wait3A_299 = tpu.memref_slice %arg5[%dma_wait3A_291, %dma_wait3A_298] : memref<200x128xi32, #tpu.memory_space<vmem>> -> memref<1x128xi32, #tpu.memory_space<vmem>>
    %dma_wait3A_300 = tpu.memref_squeeze %dma_wait3A_299 : memref<1x128xi32, #tpu.memory_space<vmem>> -> memref<128xi32, #tpu.memory_space<vmem>>
    %dma_wait3A_301 = arith.constant 0 : i32
    %dma_wait3A_302 = arith.constant 0 : i32
    %dma_wait3A_303 = tpu.memref_slice %arg3[%dma_wait3A_301, %dma_wait3A_302] : memref<1000000x64xf32, #tpu.memory_space<hbm>> -> memref<1000000x64xf32, #tpu.memory_space<hbm>>
    %dma_wait3A_304 = tpu.memref_slice %arg7[%dma_wait3A_293] : memref<8x!tpu.dma_semaphore, #tpu.memory_space<semaphore_mem>> -> memref<1x!tpu.dma_semaphore, #tpu.memory_space<semaphore_mem>>
    %dma_wait3A_305 = tpu.memref_squeeze %dma_wait3A_304 : memref<1x!tpu.dma_semaphore, #tpu.memory_space<semaphore_mem>> -> memref<!tpu.dma_semaphore, #tpu.memory_space<semaphore_mem>>
    tpu.wait_indirect_dma semaphore(%dma_wait3A_305 : memref<!tpu.dma_semaphore, #tpu.memory_space<semaphore_mem>>) src(%dma_wait3A_303 : memref<1000000x64xf32, #tpu.memory_space<hbm>>) dst(%dma_wait3A_297 : memref<128x64xf32, #tpu.memory_space<vmem>>)
    %add3A_306 = arith.constant 25216 : i32
    %add3A_307 = arith.addi %mul3A_2, %add3A_306 : i32
    %dma_start3A_308 = arith.constant 5 : i32
    %dma_start3A_309 = arith.constant 5 : i32
    %dma_start3A_310 = arith.constant 0 : i32
    %dma_start3A_311 = arith.constant 0 : i32
    %dma_start3A_312 = tpu.memref_slice %arg6[%dma_start3A_308, %dma_start3A_310, %dma_start3A_311] : memref<8x128x64xf32, #tpu.memory_space<vmem>> -> memref<1x128x64xf32, #tpu.memory_space<vmem>>
    %dma_start3A_313 = tpu.memref_squeeze %dma_start3A_312 : memref<1x128x64xf32, #tpu.memory_space<vmem>> -> memref<128x64xf32, #tpu.memory_space<vmem>>
    %dma_start3A_314 = arith.constant 0 : i32
    %dma_start3A_315 = tpu.memref_slice %arg4[%add3A_307, %dma_start3A_314] : memref<819200x64xf32, #tpu.memory_space<hbm>> -> memref<128x64xf32, #tpu.memory_space<hbm>>
    %dma_start3A_316 = tpu.memref_slice %arg8[%dma_start3A_309] : memref<8x!tpu.dma_semaphore, #tpu.memory_space<semaphore_mem>> -> memref<1x!tpu.dma_semaphore, #tpu.memory_space<semaphore_mem>>
    %dma_start3A_317 = tpu.memref_squeeze %dma_start3A_316 : memref<1x!tpu.dma_semaphore, #tpu.memory_space<semaphore_mem>> -> memref<!tpu.dma_semaphore, #tpu.memory_space<semaphore_mem>>
    %dma_start3A_318 = arith.constant 0 : i32
    %dma_start3A_319 = tpu.memref_slice %arg4[%add3A_307, %dma_start3A_318] : memref<819200x64xf32, #tpu.memory_space<hbm>> -> memref<128x64xf32, #tpu.memory_space<hbm>>
    %dma_start3A_320 = arith.constant 0 : i32
    %dma_start3A_321 = arith.constant 0 : i32
    %dma_start3A_322 = tpu.memref_slice %arg6[%dma_start3A_308, %dma_start3A_320, %dma_start3A_321] : memref<8x128x64xf32, #tpu.memory_space<vmem>> -> memref<1x128x64xf32, #tpu.memory_space<vmem>>
    %dma_start3A_323 = tpu.memref_squeeze %dma_start3A_322 : memref<1x128x64xf32, #tpu.memory_space<vmem>> -> memref<128x64xf32, #tpu.memory_space<vmem>>
    tpu.enqueue_dma source(%dma_start3A_323 : memref<128x64xf32, #tpu.memory_space<vmem>>) target(%dma_start3A_319 : memref<128x64xf32, #tpu.memory_space<hbm>>) target_semaphore(%dma_start3A_317 : memref<!tpu.dma_semaphore, #tpu.memory_space<semaphore_mem>>)
    %dma_wait3A_324 = arith.constant 198 : i32
    %dma_wait3A_325 = arith.constant 6 : i32
    %dma_wait3A_326 = arith.constant 6 : i32
    %dma_wait3A_327 = arith.constant 0 : i32
    %dma_wait3A_328 = arith.constant 0 : i32
    %dma_wait3A_329 = tpu.memref_slice %arg6[%dma_wait3A_325, %dma_wait3A_327, %dma_wait3A_328] : memref<8x128x64xf32, #tpu.memory_space<vmem>> -> memref<1x128x64xf32, #tpu.memory_space<vmem>>
    %dma_wait3A_330 = tpu.memref_squeeze %dma_wait3A_329 : memref<1x128x64xf32, #tpu.memory_space<vmem>> -> memref<128x64xf32, #tpu.memory_space<vmem>>
    %dma_wait3A_331 = arith.constant 0 : i32
    %dma_wait3A_332 = tpu.memref_slice %arg5[%dma_wait3A_324, %dma_wait3A_331] : memref<200x128xi32, #tpu.memory_space<vmem>> -> memref<1x128xi32, #tpu.memory_space<vmem>>
    %dma_wait3A_333 = tpu.memref_squeeze %dma_wait3A_332 : memref<1x128xi32, #tpu.memory_space<vmem>> -> memref<128xi32, #tpu.memory_space<vmem>>
    %dma_wait3A_334 = arith.constant 0 : i32
    %dma_wait3A_335 = arith.constant 0 : i32
    %dma_wait3A_336 = tpu.memref_slice %arg3[%dma_wait3A_334, %dma_wait3A_335] : memref<1000000x64xf32, #tpu.memory_space<hbm>> -> memref<1000000x64xf32, #tpu.memory_space<hbm>>
    %dma_wait3A_337 = tpu.memref_slice %arg7[%dma_wait3A_326] : memref<8x!tpu.dma_semaphore, #tpu.memory_space<semaphore_mem>> -> memref<1x!tpu.dma_semaphore, #tpu.memory_space<semaphore_mem>>
    %dma_wait3A_338 = tpu.memref_squeeze %dma_wait3A_337 : memref<1x!tpu.dma_semaphore, #tpu.memory_space<semaphore_mem>> -> memref<!tpu.dma_semaphore, #tpu.memory_space<semaphore_mem>>
    tpu.wait_indirect_dma semaphore(%dma_wait3A_338 : memref<!tpu.dma_semaphore, #tpu.memory_space<semaphore_mem>>) src(%dma_wait3A_336 : memref<1000000x64xf32, #tpu.memory_space<hbm>>) dst(%dma_wait3A_330 : memref<128x64xf32, #tpu.memory_space<vmem>>)
    %add3A_339 = arith.constant 25344 : i32
    %add3A_340 = arith.addi %mul3A_2, %add3A_339 : i32
    %dma_start3A_341 = arith.constant 6 : i32
    %dma_start3A_342 = arith.constant 6 : i32
    %dma_start3A_343 = arith.constant 0 : i32
    %dma_start3A_344 = arith.constant 0 : i32
    %dma_start3A_345 = tpu.memref_slice %arg6[%dma_start3A_341, %dma_start3A_343, %dma_start3A_344] : memref<8x128x64xf32, #tpu.memory_space<vmem>> -> memref<1x128x64xf32, #tpu.memory_space<vmem>>
    %dma_start3A_346 = tpu.memref_squeeze %dma_start3A_345 : memref<1x128x64xf32, #tpu.memory_space<vmem>> -> memref<128x64xf32, #tpu.memory_space<vmem>>
    %dma_start3A_347 = arith.constant 0 : i32
    %dma_start3A_348 = tpu.memref_slice %arg4[%add3A_340, %dma_start3A_347] : memref<819200x64xf32, #tpu.memory_space<hbm>> -> memref<128x64xf32, #tpu.memory_space<hbm>>
    %dma_start3A_349 = tpu.memref_slice %arg8[%dma_start3A_342] : memref<8x!tpu.dma_semaphore, #tpu.memory_space<semaphore_mem>> -> memref<1x!tpu.dma_semaphore, #tpu.memory_space<semaphore_mem>>
    %dma_start3A_350 = tpu.memref_squeeze %dma_start3A_349 : memref<1x!tpu.dma_semaphore, #tpu.memory_space<semaphore_mem>> -> memref<!tpu.dma_semaphore, #tpu.memory_space<semaphore_mem>>
    %dma_start3A_351 = arith.constant 0 : i32
    %dma_start3A_352 = tpu.memref_slice %arg4[%add3A_340, %dma_start3A_351] : memref<819200x64xf32, #tpu.memory_space<hbm>> -> memref<128x64xf32, #tpu.memory_space<hbm>>
    %dma_start3A_353 = arith.constant 0 : i32
    %dma_start3A_354 = arith.constant 0 : i32
    %dma_start3A_355 = tpu.memref_slice %arg6[%dma_start3A_341, %dma_start3A_353, %dma_start3A_354] : memref<8x128x64xf32, #tpu.memory_space<vmem>> -> memref<1x128x64xf32, #tpu.memory_space<vmem>>
    %dma_start3A_356 = tpu.memref_squeeze %dma_start3A_355 : memref<1x128x64xf32, #tpu.memory_space<vmem>> -> memref<128x64xf32, #tpu.memory_space<vmem>>
    tpu.enqueue_dma source(%dma_start3A_356 : memref<128x64xf32, #tpu.memory_space<vmem>>) target(%dma_start3A_352 : memref<128x64xf32, #tpu.memory_space<hbm>>) target_semaphore(%dma_start3A_350 : memref<!tpu.dma_semaphore, #tpu.memory_space<semaphore_mem>>)
    %dma_wait3A_357 = arith.constant 199 : i32
    %dma_wait3A_358 = arith.constant 7 : i32
    %dma_wait3A_359 = arith.constant 7 : i32
    %dma_wait3A_360 = arith.constant 0 : i32
    %dma_wait3A_361 = arith.constant 0 : i32
    %dma_wait3A_362 = tpu.memref_slice %arg6[%dma_wait3A_358, %dma_wait3A_360, %dma_wait3A_361] : memref<8x128x64xf32, #tpu.memory_space<vmem>> -> memref<1x128x64xf32, #tpu.memory_space<vmem>>
    %dma_wait3A_363 = tpu.memref_squeeze %dma_wait3A_362 : memref<1x128x64xf32, #tpu.memory_space<vmem>> -> memref<128x64xf32, #tpu.memory_space<vmem>>
    %dma_wait3A_364 = arith.constant 0 : i32
    %dma_wait3A_365 = tpu.memref_slice %arg5[%dma_wait3A_357, %dma_wait3A_364] : memref<200x128xi32, #tpu.memory_space<vmem>> -> memref<1x128xi32, #tpu.memory_space<vmem>>
    %dma_wait3A_366 = tpu.memref_squeeze %dma_wait3A_365 : memref<1x128xi32, #tpu.memory_space<vmem>> -> memref<128xi32, #tpu.memory_space<vmem>>
    %dma_wait3A_367 = arith.constant 0 : i32
    %dma_wait3A_368 = arith.constant 0 : i32
    %dma_wait3A_369 = tpu.memref_slice %arg3[%dma_wait3A_367, %dma_wait3A_368] : memref<1000000x64xf32, #tpu.memory_space<hbm>> -> memref<1000000x64xf32, #tpu.memory_space<hbm>>
    %dma_wait3A_370 = tpu.memref_slice %arg7[%dma_wait3A_359] : memref<8x!tpu.dma_semaphore, #tpu.memory_space<semaphore_mem>> -> memref<1x!tpu.dma_semaphore, #tpu.memory_space<semaphore_mem>>
    %dma_wait3A_371 = tpu.memref_squeeze %dma_wait3A_370 : memref<1x!tpu.dma_semaphore, #tpu.memory_space<semaphore_mem>> -> memref<!tpu.dma_semaphore, #tpu.memory_space<semaphore_mem>>
    tpu.wait_indirect_dma semaphore(%dma_wait3A_371 : memref<!tpu.dma_semaphore, #tpu.memory_space<semaphore_mem>>) src(%dma_wait3A_369 : memref<1000000x64xf32, #tpu.memory_space<hbm>>) dst(%dma_wait3A_363 : memref<128x64xf32, #tpu.memory_space<vmem>>)
    %add3A_372 = arith.constant 25472 : i32
    %add3A_373 = arith.addi %mul3A_2, %add3A_372 : i32
    %dma_start3A_374 = arith.constant 7 : i32
    %dma_start3A_375 = arith.constant 7 : i32
    %dma_start3A_376 = arith.constant 0 : i32
    %dma_start3A_377 = arith.constant 0 : i32
    %dma_start3A_378 = tpu.memref_slice %arg6[%dma_start3A_374, %dma_start3A_376, %dma_start3A_377] : memref<8x128x64xf32, #tpu.memory_space<vmem>> -> memref<1x128x64xf32, #tpu.memory_space<vmem>>
    %dma_start3A_379 = tpu.memref_squeeze %dma_start3A_378 : memref<1x128x64xf32, #tpu.memory_space<vmem>> -> memref<128x64xf32, #tpu.memory_space<vmem>>
    %dma_start3A_380 = arith.constant 0 : i32
    %dma_start3A_381 = tpu.memref_slice %arg4[%add3A_373, %dma_start3A_380] : memref<819200x64xf32, #tpu.memory_space<hbm>> -> memref<128x64xf32, #tpu.memory_space<hbm>>
    %dma_start3A_382 = tpu.memref_slice %arg8[%dma_start3A_375] : memref<8x!tpu.dma_semaphore, #tpu.memory_space<semaphore_mem>> -> memref<1x!tpu.dma_semaphore, #tpu.memory_space<semaphore_mem>>
    %dma_start3A_383 = tpu.memref_squeeze %dma_start3A_382 : memref<1x!tpu.dma_semaphore, #tpu.memory_space<semaphore_mem>> -> memref<!tpu.dma_semaphore, #tpu.memory_space<semaphore_mem>>
    %dma_start3A_384 = arith.constant 0 : i32
    %dma_start3A_385 = tpu.memref_slice %arg4[%add3A_373, %dma_start3A_384] : memref<819200x64xf32, #tpu.memory_space<hbm>> -> memref<128x64xf32, #tpu.memory_space<hbm>>
    %dma_start3A_386 = arith.constant 0 : i32
    %dma_start3A_387 = arith.constant 0 : i32
    %dma_start3A_388 = tpu.memref_slice %arg6[%dma_start3A_374, %dma_start3A_386, %dma_start3A_387] : memref<8x128x64xf32, #tpu.memory_space<vmem>> -> memref<1x128x64xf32, #tpu.memory_space<vmem>>
    %dma_start3A_389 = tpu.memref_squeeze %dma_start3A_388 : memref<1x128x64xf32, #tpu.memory_space<vmem>> -> memref<128x64xf32, #tpu.memory_space<vmem>>
    tpu.enqueue_dma source(%dma_start3A_389 : memref<128x64xf32, #tpu.memory_space<vmem>>) target(%dma_start3A_385 : memref<128x64xf32, #tpu.memory_space<hbm>>) target_semaphore(%dma_start3A_383 : memref<!tpu.dma_semaphore, #tpu.memory_space<semaphore_mem>>)
    %add3A_390 = arith.constant 24576 : i32
    %add3A_391 = arith.addi %mul3A_2, %add3A_390 : i32
    %dma_wait3A_392 = arith.constant 0 : i32
    %dma_wait3A_393 = arith.constant 0 : i32
    %dma_wait3A_394 = arith.constant 0 : i32
    %dma_wait3A_395 = arith.constant 0 : i32
    %dma_wait3A_396 = tpu.memref_slice %arg6[%dma_wait3A_392, %dma_wait3A_394, %dma_wait3A_395] : memref<8x128x64xf32, #tpu.memory_space<vmem>> -> memref<1x128x64xf32, #tpu.memory_space<vmem>>
    %dma_wait3A_397 = tpu.memref_squeeze %dma_wait3A_396 : memref<1x128x64xf32, #tpu.memory_space<vmem>> -> memref<128x64xf32, #tpu.memory_space<vmem>>
    %dma_wait3A_398 = arith.constant 0 : i32
    %dma_wait3A_399 = tpu.memref_slice %arg4[%add3A_391, %dma_wait3A_398] : memref<819200x64xf32, #tpu.memory_space<hbm>> -> memref<128x64xf32, #tpu.memory_space<hbm>>
    %dma_wait3A_400 = tpu.memref_slice %arg8[%dma_wait3A_393] : memref<8x!tpu.dma_semaphore, #tpu.memory_space<semaphore_mem>> -> memref<1x!tpu.dma_semaphore, #tpu.memory_space<semaphore_mem>>
    %dma_wait3A_401 = tpu.memref_squeeze %dma_wait3A_400 : memref<1x!tpu.dma_semaphore, #tpu.memory_space<semaphore_mem>> -> memref<!tpu.dma_semaphore, #tpu.memory_space<semaphore_mem>>
    %dma_wait3A_402 = arith.constant 0 : i32
    %dma_wait3A_403 = tpu.memref_slice %arg4[%add3A_391, %dma_wait3A_402] : memref<819200x64xf32, #tpu.memory_space<hbm>> -> memref<128x64xf32, #tpu.memory_space<hbm>>
    %dma_wait3A_404 = arith.constant 0 : i32
    %dma_wait3A_405 = arith.constant 0 : i32
    %dma_wait3A_406 = tpu.memref_slice %arg6[%dma_wait3A_392, %dma_wait3A_404, %dma_wait3A_405] : memref<8x128x64xf32, #tpu.memory_space<vmem>> -> memref<1x128x64xf32, #tpu.memory_space<vmem>>
    %dma_wait3A_407 = tpu.memref_squeeze %dma_wait3A_406 : memref<1x128x64xf32, #tpu.memory_space<vmem>> -> memref<128x64xf32, #tpu.memory_space<vmem>>
    tpu.wait_dma2 semaphore(%dma_wait3A_401 : memref<!tpu.dma_semaphore, #tpu.memory_space<semaphore_mem>>) src(%dma_wait3A_407 : memref<128x64xf32, #tpu.memory_space<vmem>>) dst(%dma_wait3A_403 : memref<128x64xf32, #tpu.memory_space<hbm>>)
    %add3A_408 = arith.constant 24704 : i32
    %add3A_409 = arith.addi %mul3A_2, %add3A_408 : i32
    %dma_wait3A_410 = arith.constant 1 : i32
    %dma_wait3A_411 = arith.constant 1 : i32
    %dma_wait3A_412 = arith.constant 0 : i32
    %dma_wait3A_413 = arith.constant 0 : i32
    %dma_wait3A_414 = tpu.memref_slice %arg6[%dma_wait3A_410, %dma_wait3A_412, %dma_wait3A_413] : memref<8x128x64xf32, #tpu.memory_space<vmem>> -> memref<1x128x64xf32, #tpu.memory_space<vmem>>
    %dma_wait3A_415 = tpu.memref_squeeze %dma_wait3A_414 : memref<1x128x64xf32, #tpu.memory_space<vmem>> -> memref<128x64xf32, #tpu.memory_space<vmem>>
    %dma_wait3A_416 = arith.constant 0 : i32
    %dma_wait3A_417 = tpu.memref_slice %arg4[%add3A_409, %dma_wait3A_416] : memref<819200x64xf32, #tpu.memory_space<hbm>> -> memref<128x64xf32, #tpu.memory_space<hbm>>
    %dma_wait3A_418 = tpu.memref_slice %arg8[%dma_wait3A_411] : memref<8x!tpu.dma_semaphore, #tpu.memory_space<semaphore_mem>> -> memref<1x!tpu.dma_semaphore, #tpu.memory_space<semaphore_mem>>
    %dma_wait3A_419 = tpu.memref_squeeze %dma_wait3A_418 : memref<1x!tpu.dma_semaphore, #tpu.memory_space<semaphore_mem>> -> memref<!tpu.dma_semaphore, #tpu.memory_space<semaphore_mem>>
    %dma_wait3A_420 = arith.constant 0 : i32
    %dma_wait3A_421 = tpu.memref_slice %arg4[%add3A_409, %dma_wait3A_420] : memref<819200x64xf32, #tpu.memory_space<hbm>> -> memref<128x64xf32, #tpu.memory_space<hbm>>
    %dma_wait3A_422 = arith.constant 0 : i32
    %dma_wait3A_423 = arith.constant 0 : i32
    %dma_wait3A_424 = tpu.memref_slice %arg6[%dma_wait3A_410, %dma_wait3A_422, %dma_wait3A_423] : memref<8x128x64xf32, #tpu.memory_space<vmem>> -> memref<1x128x64xf32, #tpu.memory_space<vmem>>
    %dma_wait3A_425 = tpu.memref_squeeze %dma_wait3A_424 : memref<1x128x64xf32, #tpu.memory_space<vmem>> -> memref<128x64xf32, #tpu.memory_space<vmem>>
    tpu.wait_dma2 semaphore(%dma_wait3A_419 : memref<!tpu.dma_semaphore, #tpu.memory_space<semaphore_mem>>) src(%dma_wait3A_425 : memref<128x64xf32, #tpu.memory_space<vmem>>) dst(%dma_wait3A_421 : memref<128x64xf32, #tpu.memory_space<hbm>>)
    %add3A_426 = arith.constant 24832 : i32
    %add3A_427 = arith.addi %mul3A_2, %add3A_426 : i32
    %dma_wait3A_428 = arith.constant 2 : i32
    %dma_wait3A_429 = arith.constant 2 : i32
    %dma_wait3A_430 = arith.constant 0 : i32
    %dma_wait3A_431 = arith.constant 0 : i32
    %dma_wait3A_432 = tpu.memref_slice %arg6[%dma_wait3A_428, %dma_wait3A_430, %dma_wait3A_431] : memref<8x128x64xf32, #tpu.memory_space<vmem>> -> memref<1x128x64xf32, #tpu.memory_space<vmem>>
    %dma_wait3A_433 = tpu.memref_squeeze %dma_wait3A_432 : memref<1x128x64xf32, #tpu.memory_space<vmem>> -> memref<128x64xf32, #tpu.memory_space<vmem>>
    %dma_wait3A_434 = arith.constant 0 : i32
    %dma_wait3A_435 = tpu.memref_slice %arg4[%add3A_427, %dma_wait3A_434] : memref<819200x64xf32, #tpu.memory_space<hbm>> -> memref<128x64xf32, #tpu.memory_space<hbm>>
    %dma_wait3A_436 = tpu.memref_slice %arg8[%dma_wait3A_429] : memref<8x!tpu.dma_semaphore, #tpu.memory_space<semaphore_mem>> -> memref<1x!tpu.dma_semaphore, #tpu.memory_space<semaphore_mem>>
    %dma_wait3A_437 = tpu.memref_squeeze %dma_wait3A_436 : memref<1x!tpu.dma_semaphore, #tpu.memory_space<semaphore_mem>> -> memref<!tpu.dma_semaphore, #tpu.memory_space<semaphore_mem>>
    %dma_wait3A_438 = arith.constant 0 : i32
    %dma_wait3A_439 = tpu.memref_slice %arg4[%add3A_427, %dma_wait3A_438] : memref<819200x64xf32, #tpu.memory_space<hbm>> -> memref<128x64xf32, #tpu.memory_space<hbm>>
    %dma_wait3A_440 = arith.constant 0 : i32
    %dma_wait3A_441 = arith.constant 0 : i32
    %dma_wait3A_442 = tpu.memref_slice %arg6[%dma_wait3A_428, %dma_wait3A_440, %dma_wait3A_441] : memref<8x128x64xf32, #tpu.memory_space<vmem>> -> memref<1x128x64xf32, #tpu.memory_space<vmem>>
    %dma_wait3A_443 = tpu.memref_squeeze %dma_wait3A_442 : memref<1x128x64xf32, #tpu.memory_space<vmem>> -> memref<128x64xf32, #tpu.memory_space<vmem>>
    tpu.wait_dma2 semaphore(%dma_wait3A_437 : memref<!tpu.dma_semaphore, #tpu.memory_space<semaphore_mem>>) src(%dma_wait3A_443 : memref<128x64xf32, #tpu.memory_space<vmem>>) dst(%dma_wait3A_439 : memref<128x64xf32, #tpu.memory_space<hbm>>)
    %add3A_444 = arith.constant 24960 : i32
    %add3A_445 = arith.addi %mul3A_2, %add3A_444 : i32
    %dma_wait3A_446 = arith.constant 3 : i32
    %dma_wait3A_447 = arith.constant 3 : i32
    %dma_wait3A_448 = arith.constant 0 : i32
    %dma_wait3A_449 = arith.constant 0 : i32
    %dma_wait3A_450 = tpu.memref_slice %arg6[%dma_wait3A_446, %dma_wait3A_448, %dma_wait3A_449] : memref<8x128x64xf32, #tpu.memory_space<vmem>> -> memref<1x128x64xf32, #tpu.memory_space<vmem>>
    %dma_wait3A_451 = tpu.memref_squeeze %dma_wait3A_450 : memref<1x128x64xf32, #tpu.memory_space<vmem>> -> memref<128x64xf32, #tpu.memory_space<vmem>>
    %dma_wait3A_452 = arith.constant 0 : i32
    %dma_wait3A_453 = tpu.memref_slice %arg4[%add3A_445, %dma_wait3A_452] : memref<819200x64xf32, #tpu.memory_space<hbm>> -> memref<128x64xf32, #tpu.memory_space<hbm>>
    %dma_wait3A_454 = tpu.memref_slice %arg8[%dma_wait3A_447] : memref<8x!tpu.dma_semaphore, #tpu.memory_space<semaphore_mem>> -> memref<1x!tpu.dma_semaphore, #tpu.memory_space<semaphore_mem>>
    %dma_wait3A_455 = tpu.memref_squeeze %dma_wait3A_454 : memref<1x!tpu.dma_semaphore, #tpu.memory_space<semaphore_mem>> -> memref<!tpu.dma_semaphore, #tpu.memory_space<semaphore_mem>>
    %dma_wait3A_456 = arith.constant 0 : i32
    %dma_wait3A_457 = tpu.memref_slice %arg4[%add3A_445, %dma_wait3A_456] : memref<819200x64xf32, #tpu.memory_space<hbm>> -> memref<128x64xf32, #tpu.memory_space<hbm>>
    %dma_wait3A_458 = arith.constant 0 : i32
    %dma_wait3A_459 = arith.constant 0 : i32
    %dma_wait3A_460 = tpu.memref_slice %arg6[%dma_wait3A_446, %dma_wait3A_458, %dma_wait3A_459] : memref<8x128x64xf32, #tpu.memory_space<vmem>> -> memref<1x128x64xf32, #tpu.memory_space<vmem>>
    %dma_wait3A_461 = tpu.memref_squeeze %dma_wait3A_460 : memref<1x128x64xf32, #tpu.memory_space<vmem>> -> memref<128x64xf32, #tpu.memory_space<vmem>>
    tpu.wait_dma2 semaphore(%dma_wait3A_455 : memref<!tpu.dma_semaphore, #tpu.memory_space<semaphore_mem>>) src(%dma_wait3A_461 : memref<128x64xf32, #tpu.memory_space<vmem>>) dst(%dma_wait3A_457 : memref<128x64xf32, #tpu.memory_space<hbm>>)
    %add3A_462 = arith.constant 25088 : i32
    %add3A_463 = arith.addi %mul3A_2, %add3A_462 : i32
    %dma_wait3A_464 = arith.constant 4 : i32
    %dma_wait3A_465 = arith.constant 4 : i32
    %dma_wait3A_466 = arith.constant 0 : i32
    %dma_wait3A_467 = arith.constant 0 : i32
    %dma_wait3A_468 = tpu.memref_slice %arg6[%dma_wait3A_464, %dma_wait3A_466, %dma_wait3A_467] : memref<8x128x64xf32, #tpu.memory_space<vmem>> -> memref<1x128x64xf32, #tpu.memory_space<vmem>>
    %dma_wait3A_469 = tpu.memref_squeeze %dma_wait3A_468 : memref<1x128x64xf32, #tpu.memory_space<vmem>> -> memref<128x64xf32, #tpu.memory_space<vmem>>
    %dma_wait3A_470 = arith.constant 0 : i32
    %dma_wait3A_471 = tpu.memref_slice %arg4[%add3A_463, %dma_wait3A_470] : memref<819200x64xf32, #tpu.memory_space<hbm>> -> memref<128x64xf32, #tpu.memory_space<hbm>>
    %dma_wait3A_472 = tpu.memref_slice %arg8[%dma_wait3A_465] : memref<8x!tpu.dma_semaphore, #tpu.memory_space<semaphore_mem>> -> memref<1x!tpu.dma_semaphore, #tpu.memory_space<semaphore_mem>>
    %dma_wait3A_473 = tpu.memref_squeeze %dma_wait3A_472 : memref<1x!tpu.dma_semaphore, #tpu.memory_space<semaphore_mem>> -> memref<!tpu.dma_semaphore, #tpu.memory_space<semaphore_mem>>
    %dma_wait3A_474 = arith.constant 0 : i32
    %dma_wait3A_475 = tpu.memref_slice %arg4[%add3A_463, %dma_wait3A_474] : memref<819200x64xf32, #tpu.memory_space<hbm>> -> memref<128x64xf32, #tpu.memory_space<hbm>>
    %dma_wait3A_476 = arith.constant 0 : i32
    %dma_wait3A_477 = arith.constant 0 : i32
    %dma_wait3A_478 = tpu.memref_slice %arg6[%dma_wait3A_464, %dma_wait3A_476, %dma_wait3A_477] : memref<8x128x64xf32, #tpu.memory_space<vmem>> -> memref<1x128x64xf32, #tpu.memory_space<vmem>>
    %dma_wait3A_479 = tpu.memref_squeeze %dma_wait3A_478 : memref<1x128x64xf32, #tpu.memory_space<vmem>> -> memref<128x64xf32, #tpu.memory_space<vmem>>
    tpu.wait_dma2 semaphore(%dma_wait3A_473 : memref<!tpu.dma_semaphore, #tpu.memory_space<semaphore_mem>>) src(%dma_wait3A_479 : memref<128x64xf32, #tpu.memory_space<vmem>>) dst(%dma_wait3A_475 : memref<128x64xf32, #tpu.memory_space<hbm>>)
    %add3A_480 = arith.constant 25216 : i32
    %add3A_481 = arith.addi %mul3A_2, %add3A_480 : i32
    %dma_wait3A_482 = arith.constant 5 : i32
    %dma_wait3A_483 = arith.constant 5 : i32
    %dma_wait3A_484 = arith.constant 0 : i32
    %dma_wait3A_485 = arith.constant 0 : i32
    %dma_wait3A_486 = tpu.memref_slice %arg6[%dma_wait3A_482, %dma_wait3A_484, %dma_wait3A_485] : memref<8x128x64xf32, #tpu.memory_space<vmem>> -> memref<1x128x64xf32, #tpu.memory_space<vmem>>
    %dma_wait3A_487 = tpu.memref_squeeze %dma_wait3A_486 : memref<1x128x64xf32, #tpu.memory_space<vmem>> -> memref<128x64xf32, #tpu.memory_space<vmem>>
    %dma_wait3A_488 = arith.constant 0 : i32
    %dma_wait3A_489 = tpu.memref_slice %arg4[%add3A_481, %dma_wait3A_488] : memref<819200x64xf32, #tpu.memory_space<hbm>> -> memref<128x64xf32, #tpu.memory_space<hbm>>
    %dma_wait3A_490 = tpu.memref_slice %arg8[%dma_wait3A_483] : memref<8x!tpu.dma_semaphore, #tpu.memory_space<semaphore_mem>> -> memref<1x!tpu.dma_semaphore, #tpu.memory_space<semaphore_mem>>
    %dma_wait3A_491 = tpu.memref_squeeze %dma_wait3A_490 : memref<1x!tpu.dma_semaphore, #tpu.memory_space<semaphore_mem>> -> memref<!tpu.dma_semaphore, #tpu.memory_space<semaphore_mem>>
    %dma_wait3A_492 = arith.constant 0 : i32
    %dma_wait3A_493 = tpu.memref_slice %arg4[%add3A_481, %dma_wait3A_492] : memref<819200x64xf32, #tpu.memory_space<hbm>> -> memref<128x64xf32, #tpu.memory_space<hbm>>
    %dma_wait3A_494 = arith.constant 0 : i32
    %dma_wait3A_495 = arith.constant 0 : i32
    %dma_wait3A_496 = tpu.memref_slice %arg6[%dma_wait3A_482, %dma_wait3A_494, %dma_wait3A_495] : memref<8x128x64xf32, #tpu.memory_space<vmem>> -> memref<1x128x64xf32, #tpu.memory_space<vmem>>
    %dma_wait3A_497 = tpu.memref_squeeze %dma_wait3A_496 : memref<1x128x64xf32, #tpu.memory_space<vmem>> -> memref<128x64xf32, #tpu.memory_space<vmem>>
    tpu.wait_dma2 semaphore(%dma_wait3A_491 : memref<!tpu.dma_semaphore, #tpu.memory_space<semaphore_mem>>) src(%dma_wait3A_497 : memref<128x64xf32, #tpu.memory_space<vmem>>) dst(%dma_wait3A_493 : memref<128x64xf32, #tpu.memory_space<hbm>>)
    %add3A_498 = arith.constant 25344 : i32
    %add3A_499 = arith.addi %mul3A_2, %add3A_498 : i32
    %dma_wait3A_500 = arith.constant 6 : i32
    %dma_wait3A_501 = arith.constant 6 : i32
    %dma_wait3A_502 = arith.constant 0 : i32
    %dma_wait3A_503 = arith.constant 0 : i32
    %dma_wait3A_504 = tpu.memref_slice %arg6[%dma_wait3A_500, %dma_wait3A_502, %dma_wait3A_503] : memref<8x128x64xf32, #tpu.memory_space<vmem>> -> memref<1x128x64xf32, #tpu.memory_space<vmem>>
    %dma_wait3A_505 = tpu.memref_squeeze %dma_wait3A_504 : memref<1x128x64xf32, #tpu.memory_space<vmem>> -> memref<128x64xf32, #tpu.memory_space<vmem>>
    %dma_wait3A_506 = arith.constant 0 : i32
    %dma_wait3A_507 = tpu.memref_slice %arg4[%add3A_499, %dma_wait3A_506] : memref<819200x64xf32, #tpu.memory_space<hbm>> -> memref<128x64xf32, #tpu.memory_space<hbm>>
    %dma_wait3A_508 = tpu.memref_slice %arg8[%dma_wait3A_501] : memref<8x!tpu.dma_semaphore, #tpu.memory_space<semaphore_mem>> -> memref<1x!tpu.dma_semaphore, #tpu.memory_space<semaphore_mem>>
    %dma_wait3A_509 = tpu.memref_squeeze %dma_wait3A_508 : memref<1x!tpu.dma_semaphore, #tpu.memory_space<semaphore_mem>> -> memref<!tpu.dma_semaphore, #tpu.memory_space<semaphore_mem>>
    %dma_wait3A_510 = arith.constant 0 : i32
    %dma_wait3A_511 = tpu.memref_slice %arg4[%add3A_499, %dma_wait3A_510] : memref<819200x64xf32, #tpu.memory_space<hbm>> -> memref<128x64xf32, #tpu.memory_space<hbm>>
    %dma_wait3A_512 = arith.constant 0 : i32
    %dma_wait3A_513 = arith.constant 0 : i32
    %dma_wait3A_514 = tpu.memref_slice %arg6[%dma_wait3A_500, %dma_wait3A_512, %dma_wait3A_513] : memref<8x128x64xf32, #tpu.memory_space<vmem>> -> memref<1x128x64xf32, #tpu.memory_space<vmem>>
    %dma_wait3A_515 = tpu.memref_squeeze %dma_wait3A_514 : memref<1x128x64xf32, #tpu.memory_space<vmem>> -> memref<128x64xf32, #tpu.memory_space<vmem>>
    tpu.wait_dma2 semaphore(%dma_wait3A_509 : memref<!tpu.dma_semaphore, #tpu.memory_space<semaphore_mem>>) src(%dma_wait3A_515 : memref<128x64xf32, #tpu.memory_space<vmem>>) dst(%dma_wait3A_511 : memref<128x64xf32, #tpu.memory_space<hbm>>)
    %add3A_516 = arith.constant 25472 : i32
    %add3A_517 = arith.addi %mul3A_2, %add3A_516 : i32
    %dma_wait3A_518 = arith.constant 7 : i32
    %dma_wait3A_519 = arith.constant 7 : i32
    %dma_wait3A_520 = arith.constant 0 : i32
    %dma_wait3A_521 = arith.constant 0 : i32
    %dma_wait3A_522 = tpu.memref_slice %arg6[%dma_wait3A_518, %dma_wait3A_520, %dma_wait3A_521] : memref<8x128x64xf32, #tpu.memory_space<vmem>> -> memref<1x128x64xf32, #tpu.memory_space<vmem>>
    %dma_wait3A_523 = tpu.memref_squeeze %dma_wait3A_522 : memref<1x128x64xf32, #tpu.memory_space<vmem>> -> memref<128x64xf32, #tpu.memory_space<vmem>>
    %dma_wait3A_524 = arith.constant 0 : i32
    %dma_wait3A_525 = tpu.memref_slice %arg4[%add3A_517, %dma_wait3A_524] : memref<819200x64xf32, #tpu.memory_space<hbm>> -> memref<128x64xf32, #tpu.memory_space<hbm>>
    %dma_wait3A_526 = tpu.memref_slice %arg8[%dma_wait3A_519] : memref<8x!tpu.dma_semaphore, #tpu.memory_space<semaphore_mem>> -> memref<1x!tpu.dma_semaphore, #tpu.memory_space<semaphore_mem>>
    %dma_wait3A_527 = tpu.memref_squeeze %dma_wait3A_526 : memref<1x!tpu.dma_semaphore, #tpu.memory_space<semaphore_mem>> -> memref<!tpu.dma_semaphore, #tpu.memory_space<semaphore_mem>>
    %dma_wait3A_528 = arith.constant 0 : i32
    %dma_wait3A_529 = tpu.memref_slice %arg4[%add3A_517, %dma_wait3A_528] : memref<819200x64xf32, #tpu.memory_space<hbm>> -> memref<128x64xf32, #tpu.memory_space<hbm>>
    %dma_wait3A_530 = arith.constant 0 : i32
    %dma_wait3A_531 = arith.constant 0 : i32
    %dma_wait3A_532 = tpu.memref_slice %arg6[%dma_wait3A_518, %dma_wait3A_530, %dma_wait3A_531] : memref<8x128x64xf32, #tpu.memory_space<vmem>> -> memref<1x128x64xf32, #tpu.memory_space<vmem>>
    %dma_wait3A_533 = tpu.memref_squeeze %dma_wait3A_532 : memref<1x128x64xf32, #tpu.memory_space<vmem>> -> memref<128x64xf32, #tpu.memory_space<vmem>>
    tpu.wait_dma2 semaphore(%dma_wait3A_527 : memref<!tpu.dma_semaphore, #tpu.memory_space<semaphore_mem>>) src(%dma_wait3A_533 : memref<128x64xf32, #tpu.memory_space<vmem>>) dst(%dma_wait3A_529 : memref<128x64xf32, #tpu.memory_space<hbm>>)
    return
  }
}

</mosaic_0001>

<sc_bundles>
// kernel: kernel.3.cloned.1.call-start
scs
__scs_entry_jumppad:
0x0: {  	(pc) =	sbr.rel $0x88, $3  }
0x1: {  	(tag) =	ssettag $0x0;
	lr =	simm.s32 $0x1  }
0x2: {  	[smem:$0x3F9F] =	sst lr;
	_ =	strace $0xD0000000  }
0x3: {  	_ = 	snop  }
0x4: {  	_ = 	snop  }
0x5: {  	_ = 	snop  }
0x6: {  	_ = 	snop  }
0x7: {  	_ = 	snop  }
__scs_overlays_trampoline_lowered:
0x8: {  	[smem:$0x3FAE] =	sst s0  }
0x9: {  	[smem:$0x3FAF] =	sst s1  }
0xa: {  	[smem:$0x3FB0] =	sst s2  }
0xb: {  	[smem:$0x3FB1] =	sst s3  }
0xc: {  	[smem:$0x3FB2] =	sst s4  }
0xd: {  	[smem:$0x3FB3] =	sst s5  }
0xe: {  	[smem:$0x3FB4] =	sst s6  }
0xf: {  	[smem:$0x3FB5] =	sst s7  }
0x10: {  	[smem:$0x3FB6] =	sst s8  }
0x11: {  	[smem:$0x3FB7] =	sst s9;
	s0 =	simm.s32 @!p0 $0x0  }
0x12: {  	s1 =	sld [smem:$0x3F9D];
	s0 =	simm.s32 @p0 $0x1  }
0x13: {  	[smem:$0x3FB8] =	sst s0;
	s0 =	simm.s32 @!p1 $0x0  }
0x14: {  	s2 =	sld [smem:$0x3F9C];
	s0 =	simm.s32 @p1 $0x1  }
0x15: {  	[smem:$0x3FB9] =	sst s0;
	s0 =	simm.s32 @!p2 $0x0  }
0x16: {  	s3 =	sld [smem:$0x3FDB];
	s0 =	simm.s32 @p2 $0x1  }
0x17: {  	s4 =	simm.s32 $0x1BF5;
	[smem:$0x3FBB] =	sst s0  }
0x18: {  	s0 =	sld [smem:$0x3F9E];
	_ =	swait.ge [sflag:s4], $0x0  }
0x19: {  	s7 =	sld [smem:$0x3F9F]  }
0x1a: {  	s8 =	sadd.s32 $0xFFFFE003, lr  }
0x1b: {  	s9 =	sadd.s32 $0xFFFFFEF7, lr;
	s5 =	simm.s32 $0xFFFFFFFF;
	p2 =	slt.u32 s8, $0xFFFFF086  }
0x1c: {  	p1 =	slt.u32 s9, $0xF7A;
	s5 =	simm.s32 @!p2 $0x0  }
0x1d: {  	s5 =	simm.s32 @p1 $0x1;
	p0 =	seq.s32 s7, s2  }
0x1e: {  	s7 =	smul.u32 @!p0 $0xF7A, s2;
	p2 =	seq.s32 @!p0 s5, $0x0  }
0x1f: {  	s9 =	smul.u32 $0xF7A, s1;
	s8 =	simm.s32 @!p0 $0x1BF5;
	p2 =	por !p2, p0  }
0x20: {  	[sflag:s8] =	ssyncset.s32 @!p0 $0xFFFFF086;
	s6 =	sadd.s32 @!p0 s3, s7;
	s7 =	simm.s32 @!p0 $0x108  }
0x21: {  	s3 =	sadd.s32 s3, s9;
	s6 =	sadd.s32 @!p0 $0x88, s6;
	s7 =	simm.s32 @p2 $0x1082  }
0x22: {  	[simem:s7], [sflag:s8] =	dma.local @!p0 [hbm:s6], $0xF7A  }
0x23: {  	s9 =	sor.u32 $0xD0000000, s2;
	s6 =	simm.s32 $0x108;
	_ =	swait.ge @!p0 [sflag:s8], $0x0  }
0x24: {  	s3 =	sadd.s32 $0x88, s3;
	s6 =	simm.s32 @!p1 $0x1082;
	[sflag:s4] =	ssyncset.s32 $0xFFFFF086  }
0x25: {  	[simem:s6], [sflag:s4] =	dma.local [hbm:s3], $0xF7A  }
0x26: {  	[smem:$0x3F9F] =	sst s1;
	(tag) =	ssettag s2;
	_ =	strace s9  }
0x27: {  	s1 =	sld [smem:$0x3FAF]  }
0x28: {  	s2 =	sld [smem:$0x3FB0]  }
0x29: {  	s4 =	sld [smem:$0x3FB2]  }
0x2a: {  	p0 =	seq.s32 s5, $0x0;
	s5 =	sld [smem:$0x3FB3]  }
0x2b: {  	s6 =	sld [smem:$0x3FB4]  }
0x2c: {  	s7 =	sld [smem:$0x3FB5]  }
0x2d: {  	s3 =	simm.s32 $0x108;
	s8 =	sld [smem:$0x3FB6]  }
0x2e: {  	s3 =	simm.s32 @!p0 $0x1082;
	s9 =	sld [smem:$0x3FB7]  }
0x2f: {  	lr =	sadd.s32 s0, s3;
	s0 =	sld [smem:$0x3FAE]  }
0x30: {  	s3 =	sld [smem:$0x3FB1]  }
0x31: {  	[smem:$0x3FBA] =	sst s10  }
0x32: {  	s10 =	sld [smem:$0x3FB8];
	_ =	sdelay $0x3  }
0x33: {  	p0 =	seq.s32 s10, $0x1;
	s10 =	sld [smem:$0x3FBA];
	_ =	sdelay $0x3  }
0x34: {  	[smem:$0x3FBA] =	sst s10  }
0x35: {  	s10 =	sld [smem:$0x3FB9];
	_ =	sdelay $0x3  }
0x36: {  	p1 =	seq.s32 s10, $0x1;
	s10 =	sld [smem:$0x3FBA];
	_ =	sdelay $0x3  }
0x37: {  	[smem:$0x3FBA] =	sst s10  }
0x38: {  	s10 =	sld [smem:$0x3FBB]  }
0x39: {  	_ = 	snop;
	(pc) =	sbr.ind lr, $3  }
0x3a: {  	_ = 	snop  }
0x3b: {  	_ = 	snop  }
0x3c: {  	p2 =	seq.s32 s10, $0x1;
	s10 =	sld [smem:$0x3FBA]  }
0x3d: {  	_ =	shalt  }
0x3e: {  	_ =	shalt  }
0x3f: {  	_ =	shalt  }
0x40: {  	_ =	shalt  }
0x41: {  	_ =	shalt  }
0x42: {  	_ =	shalt  }
0x43: {  	_ =	shalt  }
0x44: {  	_ =	shalt  }
0x45: {  	_ =	shalt  }
0x46: {  	_ =	shalt  }
0x47: {  	_ =	shalt  }
0x48: {  	_ =	shalt  }
0x49: {  	_ =	shalt  }
0x4a: {  	_ =	shalt  }
0x4b: {  	_ =	shalt  }
0x4c: {  	_ =	shalt  }
0x4d: {  	_ =	shalt  }
0x4e: {  	_ =	shalt  }
0x4f: {  	_ =	shalt  }
0x50: {  	_ =	shalt  }
0x51: {  	_ =	shalt  }
0x52: {  	_ =	shalt  }
0x53: {  	_ =	shalt  }
0x54: {  	_ =	shalt  }
0x55: {  	_ =	shalt  }
0x56: {  	_ =	shalt  }
0x57: {  	_ =	shalt  }
0x58: {  	_ =	shalt  }
0x59: {  	_ =	shalt  }
0x5a: {  	_ =	shalt  }
0x5b: {  	_ =	shalt  }
0x5c: {  	_ =	shalt  }
0x5d: {  	_ =	shalt  }
0x5e: {  	_ =	shalt  }
0x5f: {  	_ =	shalt  }
0x60: {  	_ =	shalt  }
0x61: {  	_ =	shalt  }
0x62: {  	_ =	shalt  }
0x63: {  	_ =	shalt  }
0x64: {  	_ =	shalt  }
0x65: {  	_ =	shalt  }
0x66: {  	_ =	shalt  }
0x67: {  	_ =	shalt  }
0x68: {  	_ =	shalt  }
0x69: {  	_ =	shalt  }
0x6a: {  	_ =	shalt  }
0x6b: {  	_ =	shalt  }
0x6c: {  	_ =	shalt  }
0x6d: {  	_ =	shalt  }
0x6e: {  	_ =	shalt  }
0x6f: {  	_ =	shalt  }
0x70: {  	_ =	shalt  }
0x71: {  	_ =	shalt  }
0x72: {  	_ =	shalt  }
0x73: {  	_ =	shalt  }
0x74: {  	_ =	shalt  }
0x75: {  	_ =	shalt  }
0x76: {  	_ =	shalt  }
0x77: {  	_ =	shalt  }
0x78: {  	_ =	shalt  }
0x79: {  	_ =	shalt  }
0x7a: {  	_ =	shalt  }
0x7b: {  	_ =	shalt  }
0x7c: {  	_ =	shalt  }
0x7d: {  	_ =	shalt  }
0x7e: {  	_ =	shalt  }
0x7f: {  	_ =	shalt  }
0x80: {  	_ =	shalt  }
0x81: {  	_ =	shalt  }
0x82: {  	_ =	shalt  }
0x83: {  	_ =	shalt  }
0x84: {  	_ =	shalt  }
0x85: {  	_ =	shalt  }
0x86: {  	_ =	shalt  }
0x87: {  	_ =	shalt  }
.Lfunc_end0:
.L_simem_size_0:
called_computation.1_lowered:
.L_overlay_start_0:
0x88: {  	s2 =	sld [smem:$0x3FD9]  }
0x89: {  	s3 =	sld [smem:$0x3FFE];
	_ =	sdelay $0x1  }
0x8a: {  	s1 =	srdreg.scid  }
0x8b: {  	s0 =	sand.u32 $0x1, s1  }
0x8c: {  	s17 =	sshll.u32 s0, $0xA;
	s2 =	sadd.s32 s3, s2  }
0x8d: {  	s2 =	sadd.s32 s2, s17  }
0x8e: {  	[smem:$0x3FC6] =	sst s2  }
0x8f: {  	_ = 	snop  }
0x90: {  	s2 =	sld [smem:$0x3FD0];
	(tm) =	ssettm $0x1  }
0x91: {  	s18 =	sld [smem:$0x3FFB];
	_ =	sdelay $0x3  }
0x92: {  	_ =	strace s18  }
0x93: {  	s3 =	sld [smem:$0x3FFC];
	_ =	sdelay $0x3  }
0x94: {  	_ =	strace s3  }
0x95: {  	s3 =	sld [smem:$0x3FFD];
	_ =	sdelay $0x3  }
0x96: {  	_ =	strace s3  }
0x97: {  	_ =	strace $0x8FFFFFFF  }
0x98: {  	s19 =	sld [smem:$0x3FDB];
	_ =	sdelay $0x1  }
0x99: {  	s4 =	simm.s32 $_scs_section_size  }
0x9a: {  	s5 =	simm.s32 $_size__tile_overlayer_lowered;
	s6 =	simm.s32 $_tile_overlayer_lowered  }
0x9b: {  	s22 =	simm.s32 $0x1BFF;
	s21 =	sshll.u32 s6, $0x1;
	s3 =	sadd.s32 s4, s19  }
0x9c: {  	s7 =	simm.s32 $0x0;
	s20 =	sshll.u32 s5, $0x1;
	s5 =	sadd.s32 s21, s3  }
0x9d: {  	[timem:s7], [sflag:s22] =	dma.local [hbm:s5], s20  }
0x9e: {  	_ =	swait.ge [sflag:s22], s20  }
0x9f: {  	s4 =	ssub.s32 $0x0, s20;
	[sflag:s22] =	ssyncset.done $0x0  }
0xa0: {  	[sflag:s22] =	ssyncadd.s32 s4;
	_ =	sdelay $0x1  }
0xa1: {  	s23 =	simm.s32 $0x1B8B  }
0xa2: {  	_ =	swait.ge [sflag:s23], $0x1  }
0xa3: {  	[sflag:s23] =	ssyncset.done $0x0  }
0xa4: {  	s25 =	simm.s32 $0x1B8E;
	s24 =	sld [smem:$0x3FFE];
	[sflag:s23] =	ssyncadd.s32 $0xFFFFFFFF  }
0xa5: {  	s26 =	simm.s32 $execute0_lowered;
	[smem:$0x3FD2] =	sst s25  }
0xa6: {  	s5 =	sshll.u32 s26, $0x1;
	_ =	strace $0x80000046;
	[dreg:$0x1] =	wrdreg $0xFFFFFFFF  }
0xa7: {  	s28 =	simm.s32 $_size_execute0_lowered;
	s3 =	sadd.s32 s3, s5;
	[dreg:$0x0] =	wrdreg $0x0  }
0xa8: {  	s5 =	sshll.u32 s28, $0x1;
	[dreg:$0x2] =	wrdreg s3  }
0xa9: {  	[dreg:$0x3] =	wrdreg s5  }
0xaa: {  	[dreg:$0x4] =	wrdreg $0xC0  }
0xab: {  	_ =	task [dreg:s7], $0x5FFFF  }
0xac: {  	[dreg:$0x1] =	wrdreg $0xFFFFFFFF  }
0xad: {  	[dreg:$0x0] =	wrdreg $0x60  }
0xae: {  	[dreg:$0x2] =	wrdreg s24  }
0xaf: {  	[dreg:$0x3] =	wrdreg s2  }
0xb0: {  	[dreg:$0x4] =	wrdreg $0x9  }
0xb1: {  	_ =	task.clear_ibuf [dreg:s7], $0x5FFFF;
	_ =	strace $0x90000046  }
0xb2: {  	s29 =	simm.s32 $0x9;
	_ =	strace $0x80000048  }
0xb3: {  	_ =	swait.ge [sflag:s29], $0x1  }
0xb4: {  	[sflag:s29] =	ssyncadd.s32 $0xFFFFFFFF  }
0xb5: {  	_ =	strace $0x90000048  }
0xb6: {  	_ =	sfence  }
0xb7: {  	s30 =	sld [smem:$0x0];
	_ =	sdelay $0x2  }
0xb8: {  	s31 =	sshll.u32 s1, $0xD;
	s1 =	sshrl.u32 s1, $0x2  }
0xb9: {  	s3 =	sand.u32 $0x4000, s31;
	s1 =	sadd.s32 s1, s30  }
0xba: {  	s0 =	sor.u32 s3, s0;
	s1 =	sshll.u32 s1, $0x11  }
0xbb: {  	s0 =	sor.u32 s1, s0  }
0xbc: {  	s0 =	sadd.s32 $0x8F2B, s0  }
0xbd: {  	[sflag:s0] =	ssyncadd.remote.s32 $0x1  }
0xbe: {  	_ =	sfence.sel $0xFFFF  }
0xbf: {  	[dreg:$0x0] =	wrdreg $0xFFFFFFFF;
	(pc) =	sbr.abs _section_cstart, $3  }
0xc0: {  	[dreg:$0x1] =	wrdreg $0xFFFFFFFF  }
0xc1: {  	_ =	task.clear_ibuf [dreg:s7], $0x2FFFF;
	_ =	strace $0x9FFFFFFF  }
0xc2: {  	(tm) =	ssettm $0x7FFFFFFF  }
0xc3: {  	_ =	shalt  }
tec
execute0_lowered:
.L_overlay_start_1:
0x0: {  	(tag) =	ssettag $0x1  }
0x1: {  	s0 =	rddreg [dreg:$0x0]  }
0x2: {  	s1 =	srdreg.scid;
	s5 =	stileid.u32  }
0x3: {  	s10 =	rddreg [dreg:$0x1];
	s3 =	simm.s32 $0x0;
	s29 =	simm.s32 $0x10400  }
0x4: {  	s30 =	simm.s32 $0x3;
	s28 =	simm.s32 $0x9;
	s31 =	simm.s32 $0x6  }
0x5: {  	s1 =	sand.u32 $0x1, s1;
	s2 =	sshll.u32 s5, $0x1;
	s5 =	smul.u32 $0xC800, s5  }
0x6: {  	s2 =	sor.u32 s1, s2;
	s6 =	ssub.s32 $0x2, s1;
	s1 =	smul.u32 $0x6400, s1  }
0x7: {  	s11 =	simm.s32 $0xE;
	[smem:$0x7FF] =	sst s3;
	s4 =	smul.u32 $0x6400, s2  }
0x8: {  	_ =	strace $0x80000047;
	s8 =	sshrl.u32 s6, $0x1;
	s9 =	smul.u32 $0x32000, s2  }
0x9: {  	s2 =	smul.u32 $0x190000, s2;
	s12 =	ssub.s32 s6, s8;
	s1 =	sadd.s32 s1, s5  }
0xa: {  	s5 =	simm.s32 $0x7;
	s8 =	simm.s32 $0x8;
	s14 =	sadd.s32 s10, s9  }
0xb: {  	s4 =	sshrl.u32 s4, $0x3;
	s15 =	sadd.s32 $0x400, s14;
	[dreg:$0xc] =	wrdreg s14  }
0xc: {  	s1 =	sshll.u32 s1, $0x3;
	s16 =	sadd.s32 $0x800, s14;
	[dreg:$0xd] =	wrdreg s15  }
0xd: {  	s2 =	sshrl.u32 s2, $0x3;
	s17 =	sor.u32 $0x1C00, s1;
	[dreg:$0xe] =	wrdreg s16  }
0xe: {  	s9 =	simm.s32 $0xC;
	s6 =	sadd.s32 $0xC00, s14;
	[dreg:$0x3] =	wrdreg s17  }
0xf: {  	s7 =	sadd.s32 s4, s0;
	s18 =	sor.u32 $0x1800, s1;
	[dreg:$0xf] =	wrdreg s6  }
0x10: {  	s4 =	sadd.s32 $0xF42E00, s0;
	s19 =	sor.u32 $0x1400, s1;
	[dreg:$0x4] =	wrdreg s18  }
0x11: {  	s20 =	sor.u32 $0x1000, s1;
	s2 =	sadd.s32 s10, s2;
	[dreg:$0x5] =	wrdreg s19  }
0x12: {  	s21 =	sadd.s32 $0x2C00, s1;
	s23 =	sadd.s32 $0x2800, s1;
	[dreg:$0x6] =	wrdreg s20  }
0x13: {  	s25 =	sadd.s32 $0x2400, s1;
	s1 =	sadd.s32 $0x2000, s1;
	[dreg:$0x7] =	wrdreg s21  }
0x14: {  	s0 =	smax.u32 s12, $0x1;
	s10 =	simm.s32 $0xD;
	[dreg:$0x8] =	wrdreg s23  }
0x15: {  	s12 =	simm.s32 $0xF;
	s13 =	sadd.s32 $0xA00, s7;
	[dreg:$0x9] =	wrdreg s25  }
0x16: {  	s22 =	sadd.s32 $0x31000, s2;
	s24 =	sadd.s32 $0x31400, s2;
	[dreg:$0x14] =	wrdreg s0  }
0x17: {  	s26 =	sadd.s32 $0x31800, s2;
	s2 =	sadd.s32 $0x31C00, s2;
	[dreg:$0xa] =	wrdreg s1  }
0x18: {  	s16 =	simm.s32 $0x80;
	s17 =	simm.s32 $0x6400;
	s18 =	simm.s32 $0x8400  }
0x19: {  	s20 =	simm.s32 $0xA400;
	s23 =	simm.s32 $0x1;
	[dreg:$0xb] =	wrdreg s13  }
0x1a: {  	s25 =	simm.s32 $0xE400;
	s1 =	simm.s32 $0x12400;
	[dreg:$0x10] =	wrdreg s22  }
0x1b: {  	s0 =	simm.s32 $0x4;
	s21 =	simm.s32 $0x14400;
	[dreg:$0x11] =	wrdreg s24  }
0x1c: {  	s19 =	simm.s32 $0xA;
	s7 =	simm.s32 $0xB;
	[dreg:$0x12] =	wrdreg s26  }
0x1d: {  	s6 =	simm.s32 $0x0;
	[dreg:$0x13] =	wrdreg s2;
	s22 =	simm.s32 $0xC400  }
0x1e: {  	s26 =	simm.s32 $0x2;
	s24 =	simm.s32 $0x5;
	s13 =	simm.s32 $0x10  }
.LBB2_1:
0x1f: {  	[dreg:$0x15] =	wrdreg s6  }
0x20: {  	s2 =	rddreg [dreg:$0xb];
	s6 =	simm.s32 $0x11  }
0x21: {  	[tilespmem:s3], [sflag:$0x11] =	stream.linear.gather [hbm4b:s2+s3], $0x6400, $0x38;
	[tilespmem:$0x16400] =	vst v63  }
0x22: {  	_ =	swait.ge [sflag:s6], $0x6400  }
0x23: {  	[sflag:s6] =	ssyncset.done $0x0  }
0x24: {  	[sflag:s6] =	ssyncadd.s32 $0xFFFF9C00  }
0x25: {  	[tilespmem:s17], [sflag:$0x1] =	stream.indirect.gather [hbm4b:s4+s16], $0x40, s3, s16, $0xb8;
	[tilespmem:$0x16400] =	vst v63  }
0x26: {  	_ = 	snop  }
0x27: {  	[tilespmem:s18], [sflag:$0x2] =	stream.indirect.gather [hbm4b:s4+s16], $0x40, s16, s16, $0xb8;
	[tilespmem:$0x16400] =	vst v63  }
0x28: {  	s14 =	simm.s32 $0x100  }
0x29: {  	[tilespmem:s20], [sflag:$0x3] =	stream.indirect.gather [hbm4b:s4+s16], $0x40, s14, s16, $0xb8;
	[tilespmem:$0x16400] =	vst v63  }
0x2a: {  	s15 =	simm.s32 $0x180  }
0x2b: {  	[tilespmem:s22], [sflag:$0x4] =	stream.indirect.gather [hbm4b:s4+s16], $0x40, s15, s16, $0xb8;
	[tilespmem:$0x16400] =	vst v63  }
0x2c: {  	_ =	swait.ge [sflag:s23], $0x2000  }
0x2d: {  	[sflag:s23] =	ssyncset.done $0x0  }
0x2e: {  	s6 =	rddreg [dreg:$0xc];
	[sflag:s23] =	ssyncadd.s32 $0xFFFFE000  }
0x2f: {  	[hbm4b:s6+s3] =	stream.linear.scatter [tilespmem:s17], [sflag:$0x9], $0x2000, $0x38;
	[tilespmem:$0x16400] =	vst v63  }
0x30: {  	s14 =	simm.s32 $0x200  }
0x31: {  	[tilespmem:s25], [sflag:$0x5] =	stream.indirect.gather [hbm4b:s4+s16], $0x40, s14, s16, $0xb8;
	[tilespmem:$0x16400] =	vst v63  }
0x32: {  	_ =	swait.ge [sflag:s26], $0x2000  }
0x33: {  	[sflag:s26] =	ssyncset.done $0x0  }
0x34: {  	s15 =	rddreg [dreg:$0xd];
	[sflag:s26] =	ssyncadd.s32 $0xFFFFE000  }
0x35: {  	[hbm4b:s15+s3] =	stream.linear.scatter [tilespmem:s18], [sflag:$0xA], $0x2000, $0x38;
	[tilespmem:$0x16400] =	vst v63  }
0x36: {  	s6 =	simm.s32 $0x280  }
0x37: {  	[tilespmem:s29], [sflag:$0x6] =	stream.indirect.gather [hbm4b:s4+s16], $0x40, s6, s16, $0xb8;
	[tilespmem:$0x16400] =	vst v63  }
0x38: {  	_ =	swait.ge [sflag:s30], $0x2000  }
0x39: {  	[sflag:s30] =	ssyncset.done $0x0  }
0x3a: {  	s14 =	rddreg [dreg:$0xe];
	[sflag:s30] =	ssyncadd.s32 $0xFFFFE000  }
0x3b: {  	[hbm4b:s14+s3] =	stream.linear.scatter [tilespmem:s20], [sflag:$0xB], $0x2000, $0x38;
	[tilespmem:$0x16400] =	vst v63  }
0x3c: {  	s15 =	simm.s32 $0x300  }
0x3d: {  	[tilespmem:s1], [sflag:$0x7] =	stream.indirect.gather [hbm4b:s4+s16], $0x40, s15, s16, $0xb8;
	[tilespmem:$0x16400] =	vst v63  }
0x3e: {  	_ =	swait.ge [sflag:s0], $0x2000  }
0x3f: {  	[sflag:s0] =	ssyncset.done $0x0  }
0x40: {  	s6 =	rddreg [dreg:$0xf];
	[sflag:s0] =	ssyncadd.s32 $0xFFFFE000  }
0x41: {  	[hbm4b:s6+s3] =	stream.linear.scatter [tilespmem:s22], [sflag:$0xC], $0x2000, $0x38;
	[tilespmem:$0x16400] =	vst v63  }
0x42: {  	s14 =	simm.s32 $0x380  }
0x43: {  	[tilespmem:s21], [sflag:$0x8] =	stream.indirect.gather [hbm4b:s4+s16], $0x40, s14, s16, $0xb8;
	[tilespmem:$0x16400] =	vst v63  }
0x44: {  	_ =	swait.ge [sflag:s24], $0x2000  }
0x45: {  	[sflag:s24] =	ssyncset.done $0x0  }
0x46: {  	s15 =	rddreg [dreg:$0x6];
	[sflag:s24] =	ssyncadd.s32 $0xFFFFE000  }
0x47: {  	s14 =	rddreg [dreg:$0x1]  }
0x48: {  	s2 =	sadd.s32 s14, s15  }
0x49: {  	[hbm4b:s2+s3] =	stream.linear.scatter [tilespmem:s25], [sflag:$0xD], $0x2000, $0x38;
	[tilespmem:$0x16400] =	vst v63  }
0x4a: {  	_ =	swait.ge [sflag:s28], $0x2000  }
0x4b: {  	[sflag:s28] =	ssyncset.done $0x0  }
0x4c: {  	s6 =	simm.s32 $0x400;
	[sflag:s28] =	ssyncadd.s32 $0xFFFFE000  }
0x4d: {  	[tilespmem:s17], [sflag:$0x1] =	stream.indirect.gather [hbm4b:s4+s16], $0x40, s6, s16, $0xb8;
	[tilespmem:$0x16400] =	vst v63  }
0x4e: {  	_ =	swait.ge [sflag:s31], $0x2000  }
0x4f: {  	s15 =	rddreg [dreg:$0x5];
	[sflag:s31] =	ssyncset.done $0x0  }
0x50: {  	[sflag:s31] =	ssyncadd.s32 $0xFFFFE000;
	s2 =	sadd.s32 s14, s15  }
0x51: {  	[hbm4b:s2+s3] =	stream.linear.scatter [tilespmem:s29], [sflag:$0xE], $0x2000, $0x38;
	[tilespmem:$0x16400] =	vst v63  }
0x52: {  	_ =	swait.ge [sflag:s19], $0x2000  }
0x53: {  	[sflag:s19] =	ssyncset.done $0x0  }
0x54: {  	s6 =	simm.s32 $0x480;
	[sflag:s19] =	ssyncadd.s32 $0xFFFFE000  }
0x55: {  	[tilespmem:s18], [sflag:$0x2] =	stream.indirect.gather [hbm4b:s4+s16], $0x40, s6, s16, $0xb8;
	[tilespmem:$0x16400] =	vst v63  }
0x56: {  	_ =	swait.ge [sflag:s5], $0x2000  }
0x57: {  	s15 =	rddreg [dreg:$0x4];
	[sflag:s5] =	ssyncset.done $0x0  }
0x58: {  	[sflag:s5] =	ssyncadd.s32 $0xFFFFE000;
	s2 =	sadd.s32 s14, s15  }
0x59: {  	[hbm4b:s2+s3] =	stream.linear.scatter [tilespmem:s1], [sflag:$0xF], $0x2000, $0x38;
	[tilespmem:$0x16400] =	vst v63  }
0x5a: {  	_ =	swait.ge [sflag:s7], $0x2000  }
0x5b: {  	[sflag:s7] =	ssyncset.done $0x0  }
0x5c: {  	s6 =	simm.s32 $0x500;
	[sflag:s7] =	ssyncadd.s32 $0xFFFFE000  }
0x5d: {  	[tilespmem:s20], [sflag:$0x3] =	stream.indirect.gather [hbm4b:s4+s16], $0x40, s6, s16, $0xb8;
	[tilespmem:$0x16400] =	vst v63  }
0x5e: {  	_ =	swait.ge [sflag:s8], $0x2000  }
0x5f: {  	s15 =	rddreg [dreg:$0x3];
	[sflag:s8] =	ssyncset.done $0x0  }
0x60: {  	[sflag:s8] =	ssyncadd.s32 $0xFFFFE000;
	s2 =	sadd.s32 s14, s15  }
0x61: {  	[hbm4b:s2+s3] =	stream.linear.scatter [tilespmem:s21], [sflag:$0x10], $0x2000, $0x38;
	[tilespmem:$0x16400] =	vst v63  }
0x62: {  	_ =	swait.ge [sflag:s9], $0x2000  }
0x63: {  	[sflag:s9] =	ssyncset.done $0x0  }
0x64: {  	s6 =	simm.s32 $0x580;
	[sflag:s9] =	ssyncadd.s32 $0xFFFFE000  }
0x65: {  	[tilespmem:s22], [sflag:$0x4] =	stream.indirect.gather [hbm4b:s4+s16], $0x40, s6, s16, $0xb8;
	[tilespmem:$0x16400] =	vst v63  }
0x66: {  	_ =	swait.ge [sflag:s23], $0x2000  }
0x67: {  	s15 =	rddreg [dreg:$0xa];
	[sflag:s23] =	ssyncset.done $0x0  }
0x68: {  	[sflag:s23] =	ssyncadd.s32 $0xFFFFE000;
	s2 =	sadd.s32 s14, s15  }
0x69: {  	[hbm4b:s2+s3] =	stream.linear.scatter [tilespmem:s17], [sflag:$0x9], $0x2000, $0x38;
	[tilespmem:$0x16400] =	vst v63  }
0x6a: {  	_ =	swait.ge [sflag:s10], $0x2000  }
0x6b: {  	[sflag:s10] =	ssyncset.done $0x0  }
0x6c: {  	s6 =	simm.s32 $0x600;
	[sflag:s10] =	ssyncadd.s32 $0xFFFFE000  }
0x6d: {  	[tilespmem:s25], [sflag:$0x5] =	stream.indirect.gather [hbm4b:s4+s16], $0x40, s6, s16, $0xb8;
	[tilespmem:$0x16400] =	vst v63  }
0x6e: {  	_ =	swait.ge [sflag:s26], $0x2000  }
0x6f: {  	s15 =	rddreg [dreg:$0x9];
	[sflag:s26] =	ssyncset.done $0x0  }
0x70: {  	[sflag:s26] =	ssyncadd.s32 $0xFFFFE000;
	s2 =	sadd.s32 s14, s15  }
0x71: {  	[hbm4b:s2+s3] =	stream.linear.scatter [tilespmem:s18], [sflag:$0xA], $0x2000, $0x38;
	[tilespmem:$0x16400] =	vst v63  }
0x72: {  	_ =	swait.ge [sflag:s11], $0x2000  }
0x73: {  	[sflag:s11] =	ssyncset.done $0x0  }
0x74: {  	s6 =	simm.s32 $0x680;
	[sflag:s11] =	ssyncadd.s32 $0xFFFFE000  }
0x75: {  	[tilespmem:s29], [sflag:$0x6] =	stream.indirect.gather [hbm4b:s4+s16], $0x40, s6, s16, $0xb8;
	[tilespmem:$0x16400] =	vst v63  }
0x76: {  	_ =	swait.ge [sflag:s30], $0x2000  }
0x77: {  	s15 =	rddreg [dreg:$0x8];
	[sflag:s30] =	ssyncset.done $0x0  }
0x78: {  	[sflag:s30] =	ssyncadd.s32 $0xFFFFE000;
	s2 =	sadd.s32 s14, s15  }
0x79: {  	[hbm4b:s2+s3] =	stream.linear.scatter [tilespmem:s20], [sflag:$0xB], $0x2000, $0x38;
	[tilespmem:$0x16400] =	vst v63  }
0x7a: {  	_ =	swait.ge [sflag:s12], $0x2000  }
0x7b: {  	[sflag:s12] =	ssyncset.done $0x0  }
0x7c: {  	s6 =	simm.s32 $0x700;
	[sflag:s12] =	ssyncadd.s32 $0xFFFFE000  }
0x7d: {  	[tilespmem:s1], [sflag:$0x7] =	stream.indirect.gather [hbm4b:s4+s16], $0x40, s6, s16, $0xb8;
	[tilespmem:$0x16400] =	vst v63  }
0x7e: {  	_ =	swait.ge [sflag:s0], $0x2000  }
0x7f: {  	s15 =	rddreg [dreg:$0x7];
	[sflag:s0] =	ssyncset.done $0x0  }
0x80: {  	[sflag:s0] =	ssyncadd.s32 $0xFFFFE000;
	s2 =	sadd.s32 s14, s15  }
0x81: {  	[hbm4b:s2+s3] =	stream.linear.scatter [tilespmem:s22], [sflag:$0xC], $0x2000, $0x38;
	[tilespmem:$0x16400] =	vst v63  }
0x82: {  	_ =	swait.ge [sflag:s13], $0x2000  }
0x83: {  	s6 =	simm.s32 $0x1000;
	[sflag:s13] =	ssyncset.done $0x0  }
0x84: {  	s15 =	sadd.s32 $0x2000, s14;
	s2 =	simm.s32 $0x780;
	[sflag:s13] =	ssyncadd.s32 $0xFFFFE000  }
.LBB2_2:
0x85: {  	[tilespmem:s21], [sflag:$0x8] =	stream.indirect.gather [hbm4b:s4+s16], $0x40, s2, s16, $0xb8;
	[tilespmem:$0x16400] =	vst v63  }
0x86: {  	_ =	swait.ge [sflag:s24], $0x2000  }
0x87: {  	s14 =	rddreg [dreg:$0x6];
	[sflag:s24] =	ssyncset.done $0x0  }
0x88: {  	[sflag:s24] =	ssyncadd.s32 $0xFFFFE000;
	s14 =	sadd.s32 s15, s14  }
0x89: {  	[hbm4b:s14+s3] =	stream.linear.scatter [tilespmem:s25], [sflag:$0xD], $0x2000, $0x38;
	[tilespmem:$0x16400] =	vst v63  }
0x8a: {  	s2 =	smov.u32 s6;
	_ =	swait.ge [sflag:s28], $0x2000  }
0x8b: {  	s2 =	sshra.s32 s2, $0x2;
	[sflag:s28] =	ssyncset.done $0x0  }
0x8c: {  	s14 =	sadd.s32 $0x400, s2;
	[sflag:s28] =	ssyncadd.s32 $0xFFFFE000  }
0x8d: {  	[tilespmem:s17], [sflag:$0x1] =	stream.indirect.gather [hbm4b:s4+s16], $0x40, s14, s16, $0xb8;
	[tilespmem:$0x16400] =	vst v63  }
0x8e: {  	_ =	swait.ge [sflag:s31], $0x2000  }
0x8f: {  	s14 =	rddreg [dreg:$0x5];
	[sflag:s31] =	ssyncset.done $0x0  }
0x90: {  	[sflag:s31] =	ssyncadd.s32 $0xFFFFE000;
	s14 =	sadd.s32 s15, s14  }
0x91: {  	[hbm4b:s14+s3] =	stream.linear.scatter [tilespmem:s29], [sflag:$0xE], $0x2000, $0x38;
	[tilespmem:$0x16400] =	vst v63  }
0x92: {  	_ =	swait.ge [sflag:s19], $0x2000  }
0x93: {  	[sflag:s19] =	ssyncset.done $0x0  }
0x94: {  	s14 =	sadd.s32 $0x480, s2;
	[sflag:s19] =	ssyncadd.s32 $0xFFFFE000  }
0x95: {  	[tilespmem:s18], [sflag:$0x2] =	stream.indirect.gather [hbm4b:s4+s16], $0x40, s14, s16, $0xb8;
	[tilespmem:$0x16400] =	vst v63  }
0x96: {  	_ =	swait.ge [sflag:s5], $0x2000  }
0x97: {  	s14 =	rddreg [dreg:$0x4];
	[sflag:s5] =	ssyncset.done $0x0  }
0x98: {  	[sflag:s5] =	ssyncadd.s32 $0xFFFFE000;
	s14 =	sadd.s32 s15, s14  }
0x99: {  	[hbm4b:s14+s3] =	stream.linear.scatter [tilespmem:s1], [sflag:$0xF], $0x2000, $0x38;
	[tilespmem:$0x16400] =	vst v63  }
0x9a: {  	_ =	swait.ge [sflag:s7], $0x2000  }
0x9b: {  	[sflag:s7] =	ssyncset.done $0x0  }
0x9c: {  	s14 =	sadd.s32 $0x500, s2;
	[sflag:s7] =	ssyncadd.s32 $0xFFFFE000  }
0x9d: {  	[tilespmem:s20], [sflag:$0x3] =	stream.indirect.gather [hbm4b:s4+s16], $0x40, s14, s16, $0xb8;
	[tilespmem:$0x16400] =	vst v63  }
0x9e: {  	_ =	swait.ge [sflag:s8], $0x2000  }
0x9f: {  	s14 =	rddreg [dreg:$0x3];
	[sflag:s8] =	ssyncset.done $0x0  }
0xa0: {  	[sflag:s8] =	ssyncadd.s32 $0xFFFFE000;
	s14 =	sadd.s32 s15, s14  }
0xa1: {  	[hbm4b:s14+s3] =	stream.linear.scatter [tilespmem:s21], [sflag:$0x10], $0x2000, $0x38;
	[tilespmem:$0x16400] =	vst v63  }
0xa2: {  	_ =	swait.ge [sflag:s9], $0x2000  }
0xa3: {  	[sflag:s9] =	ssyncset.done $0x0  }
0xa4: {  	s14 =	sadd.s32 $0x580, s2;
	[sflag:s9] =	ssyncadd.s32 $0xFFFFE000  }
0xa5: {  	[tilespmem:s22], [sflag:$0x4] =	stream.indirect.gather [hbm4b:s4+s16], $0x40, s14, s16, $0xb8;
	[tilespmem:$0x16400] =	vst v63  }
0xa6: {  	_ =	swait.ge [sflag:s23], $0x2000  }
0xa7: {  	s14 =	rddreg [dreg:$0xa];
	[sflag:s23] =	ssyncset.done $0x0  }
0xa8: {  	[sflag:s23] =	ssyncadd.s32 $0xFFFFE000;
	s14 =	sadd.s32 s15, s14  }
0xa9: {  	[hbm4b:s14+s3] =	stream.linear.scatter [tilespmem:s17], [sflag:$0x9], $0x2000, $0x38;
	[tilespmem:$0x16400] =	vst v63  }
0xaa: {  	_ =	swait.ge [sflag:s10], $0x2000  }
0xab: {  	[sflag:s10] =	ssyncset.done $0x0  }
0xac: {  	s14 =	sadd.s32 $0x600, s2;
	[sflag:s10] =	ssyncadd.s32 $0xFFFFE000  }
0xad: {  	[tilespmem:s25], [sflag:$0x5] =	stream.indirect.gather [hbm4b:s4+s16], $0x40, s14, s16, $0xb8;
	[tilespmem:$0x16400] =	vst v63  }
0xae: {  	_ =	swait.ge [sflag:s26], $0x2000  }
0xaf: {  	s14 =	rddreg [dreg:$0x9];
	[sflag:s26] =	ssyncset.done $0x0  }
0xb0: {  	[sflag:s26] =	ssyncadd.s32 $0xFFFFE000;
	s14 =	sadd.s32 s15, s14  }
0xb1: {  	[hbm4b:s14+s3] =	stream.linear.scatter [tilespmem:s18], [sflag:$0xA], $0x2000, $0x38;
	[tilespmem:$0x16400] =	vst v63  }
0xb2: {  	_ =	swait.ge [sflag:s11], $0x2000  }
0xb3: {  	[sflag:s11] =	ssyncset.done $0x0  }
0xb4: {  	s14 =	sadd.s32 $0x680, s2;
	[sflag:s11] =	ssyncadd.s32 $0xFFFFE000  }
0xb5: {  	[tilespmem:s29], [sflag:$0x6] =	stream.indirect.gather [hbm4b:s4+s16], $0x40, s14, s16, $0xb8;
	[tilespmem:$0x16400] =	vst v63  }
0xb6: {  	_ =	swait.ge [sflag:s30], $0x2000  }
0xb7: {  	s14 =	rddreg [dreg:$0x8];
	[sflag:s30] =	ssyncset.done $0x0  }
0xb8: {  	[sflag:s30] =	ssyncadd.s32 $0xFFFFE000;
	s14 =	sadd.s32 s15, s14  }
0xb9: {  	[hbm4b:s14+s3] =	stream.linear.scatter [tilespmem:s20], [sflag:$0xB], $0x2000, $0x38;
	[tilespmem:$0x16400] =	vst v63  }
0xba: {  	_ =	swait.ge [sflag:s12], $0x2000  }
0xbb: {  	[sflag:s12] =	ssyncset.done $0x0  }
0xbc: {  	s14 =	sadd.s32 $0x700, s2;
	[sflag:s12] =	ssyncadd.s32 $0xFFFFE000  }
0xbd: {  	[tilespmem:s1], [sflag:$0x7] =	stream.indirect.gather [hbm4b:s4+s16], $0x40, s14, s16, $0xb8;
	[tilespmem:$0x16400] =	vst v63  }
0xbe: {  	_ =	swait.ge [sflag:s0], $0x2000  }
0xbf: {  	p0 =	sne.s32 s6, $0x17000;
	s14 =	rddreg [dreg:$0x7];
	[sflag:s0] =	ssyncset.done $0x0  }
.Ltmp0:
0xc0: {  	[sflag:s0] =	ssyncadd.s32 $0xFFFFE000;
	s14 =	sadd.s32 s15, s14;
	(pc) =	sbr.rel @p0 .LBB2_2-.Ltmp0, $4  }
0xc1: {  	[hbm4b:s14+s3] =	stream.linear.scatter [tilespmem:s22], [sflag:$0xC], $0x2000, $0x38;
	[tilespmem:$0x16400] =	vst v63  }
0xc2: {  	_ =	swait.ge [sflag:s13], $0x2000  }
0xc3: {  	s6 =	sadd.s32 $0x1000, s6;
	[sflag:s13] =	ssyncset.done $0x0  }
0xc4: {  	s2 =	sadd.s32 $0x780, s2;
	s15 =	sadd.s32 $0x2000, s15;
	[sflag:s13] =	ssyncadd.s32 $0xFFFFE000  }
0xc5: {  	[tilespmem:s21], [sflag:$0x8] =	stream.indirect.gather [hbm4b:s4+s16], $0x40, s2, s16, $0xb8;
	[tilespmem:$0x16400] =	vst v63  }
0xc6: {  	_ =	swait.ge [sflag:s24], $0x2000  }
0xc7: {  	[sflag:s24] =	ssyncset.done $0x0  }
0xc8: {  	s14 =	rddreg [dreg:$0x10];
	[sflag:s24] =	ssyncadd.s32 $0xFFFFE000  }
0xc9: {  	[hbm4b:s14+s3] =	stream.linear.scatter [tilespmem:s25], [sflag:$0xD], $0x2000, $0x38;
	[tilespmem:$0x16400] =	vst v63  }
0xca: {  	_ =	swait.ge [sflag:s31], $0x2000  }
0xcb: {  	[sflag:s31] =	ssyncset.done $0x0  }
0xcc: {  	s15 =	rddreg [dreg:$0x11];
	[sflag:s31] =	ssyncadd.s32 $0xFFFFE000  }
0xcd: {  	[hbm4b:s15+s3] =	stream.linear.scatter [tilespmem:s29], [sflag:$0xE], $0x2000, $0x38;
	[tilespmem:$0x16400] =	vst v63  }
0xce: {  	_ =	swait.ge [sflag:s5], $0x2000  }
0xcf: {  	[sflag:s5] =	ssyncset.done $0x0  }
0xd0: {  	s6 =	rddreg [dreg:$0x12];
	[sflag:s5] =	ssyncadd.s32 $0xFFFFE000  }
0xd1: {  	[hbm4b:s6+s3] =	stream.linear.scatter [tilespmem:s1], [sflag:$0xF], $0x2000, $0x38;
	[tilespmem:$0x16400] =	vst v63  }
0xd2: {  	_ =	swait.ge [sflag:s8], $0x2000  }
0xd3: {  	[sflag:s8] =	ssyncset.done $0x0  }
0xd4: {  	s14 =	rddreg [dreg:$0x13];
	[sflag:s8] =	ssyncadd.s32 $0xFFFFE000  }
0xd5: {  	[hbm4b:s14+s3] =	stream.linear.scatter [tilespmem:s21], [sflag:$0x10], $0x2000, $0x38;
	[tilespmem:$0x16400] =	vst v63  }
0xd6: {  	_ =	swait.ge [sflag:s28], $0x2000  }
0xd7: {  	[sflag:s28] =	ssyncset.done $0x0  }
0xd8: {  	[sflag:s28] =	ssyncadd.s32 $0xFFFFE000  }
0xd9: {  	_ =	swait.ge [sflag:s19], $0x2000  }
0xda: {  	[sflag:s19] =	ssyncset.done $0x0  }
0xdb: {  	[sflag:s19] =	ssyncadd.s32 $0xFFFFE000  }
0xdc: {  	_ =	swait.ge [sflag:s7], $0x2000  }
0xdd: {  	[sflag:s7] =	ssyncset.done $0x0  }
0xde: {  	[sflag:s7] =	ssyncadd.s32 $0xFFFFE000  }
0xdf: {  	_ =	swait.ge [sflag:s9], $0x2000  }
0xe0: {  	[sflag:s9] =	ssyncset.done $0x0  }
0xe1: {  	[sflag:s9] =	ssyncadd.s32 $0xFFFFE000  }
0xe2: {  	_ =	swait.ge [sflag:s10], $0x2000  }
0xe3: {  	[sflag:s10] =	ssyncset.done $0x0  }
0xe4: {  	[sflag:s10] =	ssyncadd.s32 $0xFFFFE000  }
0xe5: {  	_ =	swait.ge [sflag:s11], $0x2000  }
0xe6: {  	[sflag:s11] =	ssyncset.done $0x0  }
0xe7: {  	[sflag:s11] =	ssyncadd.s32 $0xFFFFE000  }
0xe8: {  	_ =	swait.ge [sflag:s12], $0x2000  }
0xe9: {  	[sflag:s12] =	ssyncset.done $0x0  }
0xea: {  	[sflag:s12] =	ssyncadd.s32 $0xFFFFE000  }
0xeb: {  	_ =	swait.ge [sflag:s13], $0x2000  }
0xec: {  	s6 =	rddreg [dreg:$0x15]  }
0xed: {  	s15 =	rddreg [dreg:$0x14];
	s6 =	sadd.s32 $0x1, s6  }
0xee: {  	p0 =	sne.s32 s6, s15  }
.Ltmp1:
0xef: {  	_ = 	snop;
	(pc) =	sbr.rel @p0 .LBB2_1-.Ltmp1, $3  }
0xf0: {  	_ =	sdelay $0x1  }
0xf1: {  	[sflag:s13] =	ssyncset.done $0x0  }
0xf2: {  	[sflag:s13] =	ssyncadd.s32 $0xFFFFE000  }
0xf3: {  	_ =	sfence.sel $0x180000  }
0xf4: {  	[bflag:$0x0] =	sbarrier.arrive $0xFFFF  }
0xf5: {  	_ =	strace $0x90000047  }
0xf6: {  	s0 =	stileid.u32;
	[bflag:$0x2] =	sbarrier.arrive $0xFFFF  }
0xf7: {  	p0 =	sne.s32 s0, $0x0;
	s0 =	rddreg [dreg:$0x2]  }
0xf8: {  	s0 =	sadd.s32 @!p0 $0x100000, s0  }
0xf9: {  	[sflag:s0] =	ssyncadd.tile.s32 @!p0 $0x1;
	_ =	shalt  }
.Lfunc_end2:
_tile_overlayer_lowered:
.L_overlay_start_2:
0xfa: {  	(tag) =	ssettag $0x2  }
0xfb: {  	s0 =	rddreg [dreg:$0x0];
	s2 =	stileid.u32  }
0xfc: {  	s1 =	rddreg [dreg:$0x1];
	p0 =	sne.s32 s2, $0x0  }
0xfd: {  	s3 =	rddreg [dreg:$0x2];
	[bflag:$0x3] =	sbarrier.arrive $0xFFFF;
	s2 =	simm.s32 @!p0 $0x1C11  }
0xfe: {  	[timem:s3], [sflag:s2] =	dma.local @!p0 [hbm:s0], s1  }
0xff: {  	s0 =	simm.s32 @!p0 $0x11  }
0x100: {  	_ =	swait.ge @!p0 [sflag:s0], s1  }
0x101: {  	s1 =	ssub.s32 @!p0 $0x0, s1;
	[sflag:s0] =	ssyncset.done @!p0 $0x0  }
0x102: {  	[sflag:s0] =	ssyncadd.s32 @!p0 s1  }
0x103: {  	[bflag:$0x3] =	sbarrier.arrive $0xFFFF  }
0x104: {  	_ =	shalt  }

// kernel: sparse-core-data-format-call.cloned.1.call-start
scs
called_computation_lowered:
.L_overlay_start_0:
0x0: {  	s2 =	sld [smem:$0x3FD9]  }
0x1: {  	s3 =	sld [smem:$0x3FFE];
	_ =	sdelay $0x1  }
0x2: {  	s1 =	srdreg.scid  }
0x3: {  	s0 =	sand.u32 $0x1, s1  }
0x4: {  	s18 =	sshll.u32 s0, $0xA;
	s2 =	sadd.s32 s3, s2  }
0x5: {  	s2 =	sadd.s32 s2, s18  }
0x6: {  	[smem:$0x3FC6] =	sst s2  }
0x7: {  	_ = 	snop  }
0x8: {  	s2 =	sld [smem:$0x3FD0];
	(tm) =	ssettm $0x1  }
0x9: {  	s19 =	sld [smem:$0x3FFB];
	_ =	sdelay $0x3  }
0xa: {  	_ =	strace s19  }
0xb: {  	s3 =	sld [smem:$0x3FFC];
	_ =	sdelay $0x3  }
0xc: {  	_ =	strace s3  }
0xd: {  	s3 =	sld [smem:$0x3FFD];
	_ =	sdelay $0x3  }
0xe: {  	_ =	strace s3  }
0xf: {  	_ =	strace $0x8FFFFFFF  }
0x10: {  	s20 =	sld [smem:$0x3FDB];
	_ =	sdelay $0x1  }
0x11: {  	s4 =	simm.s32 $_scs_section_size  }
0x12: {  	s5 =	simm.s32 $_size__tile_overlayer_lowered;
	s6 =	simm.s32 $_tile_overlayer_lowered  }
0x13: {  	s23 =	simm.s32 $0x1BFF;
	s22 =	sshll.u32 s6, $0x1;
	s3 =	sadd.s32 s4, s20  }
0x14: {  	s7 =	simm.s32 $0x0;
	s21 =	sshll.u32 s5, $0x1;
	s5 =	sadd.s32 s22, s3  }
0x15: {  	[timem:s7], [sflag:s23] =	dma.local [hbm:s5], s21  }
0x16: {  	_ =	swait.ge [sflag:s23], s21  }
0x17: {  	s4 =	ssub.s32 $0x0, s21;
	[sflag:s23] =	ssyncset.done $0x0  }
0x18: {  	[sflag:s23] =	ssyncadd.s32 s4;
	_ =	sdelay $0x1  }
0x19: {  	s24 =	simm.s32 $0x1B8B  }
0x1a: {  	_ =	swait.ge [sflag:s24], $0x1  }
0x1b: {  	[sflag:s24] =	ssyncset.done $0x0  }
0x1c: {  	s26 =	simm.s32 $0x1B8E;
	s25 =	sld [smem:$0x3FFE];
	[sflag:s24] =	ssyncadd.s32 $0xFFFFFFFF  }
0x1d: {  	s27 =	simm.s32 $execute0_lowered;
	[smem:$0x3FD2] =	sst s26  }
0x1e: {  	s5 =	sshll.u32 s27, $0x1;
	_ =	strace $0x80000049;
	[dreg:$0x1] =	wrdreg $0xFFFFFFFF  }
0x1f: {  	s28 =	simm.s32 $_size_execute0_lowered;
	s3 =	sadd.s32 s3, s5;
	[dreg:$0x0] =	wrdreg $0x0  }
0x20: {  	s5 =	sshll.u32 s28, $0x1;
	[dreg:$0x2] =	wrdreg s3  }
0x21: {  	[dreg:$0x3] =	wrdreg s5  }
0x22: {  	[dreg:$0x4] =	wrdreg $0xC0  }
0x23: {  	_ =	task [dreg:s7], $0x5FFFF  }
0x24: {  	[dreg:$0x1] =	wrdreg $0xFFFFFFFF  }
0x25: {  	[dreg:$0x0] =	wrdreg $0x60  }
0x26: {  	[dreg:$0x2] =	wrdreg s25  }
0x27: {  	[dreg:$0x3] =	wrdreg s2  }
0x28: {  	[dreg:$0x4] =	wrdreg $0x9  }
0x29: {  	_ =	task.clear_ibuf [dreg:s7], $0x5FFFF;
	_ =	strace $0x90000049  }
0x2a: {  	s29 =	simm.s32 $0x9;
	_ =	strace $0x8000004B  }
0x2b: {  	_ =	swait.ge [sflag:s29], $0x1  }
0x2c: {  	[sflag:s29] =	ssyncadd.s32 $0xFFFFFFFF  }
0x2d: {  	_ =	strace $0x9000004B  }
0x2e: {  	_ =	sfence  }
0x2f: {  	s30 =	sld [smem:$0x0];
	_ =	sdelay $0x2  }
0x30: {  	s31 =	sshll.u32 s1, $0xD;
	s1 =	sshrl.u32 s1, $0x2  }
0x31: {  	s3 =	sand.u32 $0x4000, s31;
	s1 =	sadd.s32 s1, s30  }
0x32: {  	s0 =	sor.u32 s3, s0;
	s1 =	sshll.u32 s1, $0x11  }
0x33: {  	s0 =	sor.u32 s1, s0  }
0x34: {  	s0 =	sadd.s32 $0x8F2B, s0  }
0x35: {  	[sflag:s0] =	ssyncadd.remote.s32 $0x1  }
0x36: {  	_ =	sfence.sel $0xFFFF  }
0x37: {  	[dreg:$0x0] =	wrdreg $0xFFFFFFFF;
	(pc) =	sbr.abs _section_cstart, $3  }
0x38: {  	[dreg:$0x1] =	wrdreg $0xFFFFFFFF  }
0x39: {  	_ =	task.clear_ibuf [dreg:s7], $0x2FFFF;
	_ =	strace $0x9FFFFFFF  }
0x3a: {  	(tm) =	ssettm $0x7FFFFFFF  }
0x3b: {  	_ =	shalt  }
tec
execute0_lowered:
.L_overlay_start_1:
0x0: {  	(tag) =	ssettag $0x1  }
0x1: {  	s0 =	srdreg.scid  }
0x2: {  	s1 =	sshll.u32 s0, $0x4  }
0x3: {  	s0 =	stileid.u32;
	s1 =	sand.u32 $0x10, s1  }
0x4: {  	s1 =	sor.u32 s0, s1  }
0x5: {  	s6 =	rddreg [dreg:$0x0];
	s4 =	simm.s32 $0x1;
	s2 =	sshll.u32 s1, $0x7  }
0x6: {  	s7 =	simm.s32 $0x2;
	s12 =	simm.s32 $0x0;
	s1 =	ssub.s32 $0x4000, s2  }
0x7: {  	s8 =	simm.s32 $0x20000;
	s13 =	simm.s32 $0x0;
	s3 =	sand.u32 $0xF80, s1  }
0x8: {  	s9 =	simm.s32 $0x0;
	s5 =	sshrl.u32 s1, $0xC;
	p0 =	sne.s32 s3, $0x0  }
.Ltmp0:
0x9: {  	s1 =	rddreg [dreg:$0x2];
	s4 =	simm.s32 @!p0 $0x0;
	(pc) =	sbr.rel .LBB1_1-.Ltmp0, $4  }
0xa: {  	s11 =	simm.s32 $0x0;
	s3 =	rddreg [dreg:$0x1];
	s5 =	sadd.s32 s4, s5  }
0xb: {  	_ =	strace $0x8000004A;
	s4 =	simm.s32 $0x1;
	s5 =	smul.u32 $0x32, s5  }
0xc: {  	s6 =	sadd.s32 $0xA00, s6;
	s10 =	smov.u32 s2;
	[sflag:s4] =	ssyncpa.u1 $0x0  }
0xd: {  	p0 =	por $0x0, $0x0;
	[sflag:s7] =	ssyncpa.u1 $0x0;
	s7 =	sor.u32 $0x1, s5  }
.LBB1_4:
0xe: {  	s16 =	sshll.u32 s13, $0x3;
	s17 =	sand.u32 $0x78, s13  }
0xf: {  	s30 =	sand.u32 $0x1F800, s13;
	s12 =	sshll.u32 s12, $0x11;
	s16 =	sand.u32 $0x3C00, s16  }
0x10: {  	[tilespmem:s15+$0x810 ss:$0x81] =	vst.msk $0xffff, v2;
	s31 =	sand.u32 $0x7, s13;
	s16 =	sor.u32 s17, s16;
	s17 =	sadd.s32 s3, s30  }
0x11: {  	[tilespmem:s15+$0x1020 ss:$0x81] =	vst.msk $0xffff, v0;
	s13 =	sshll.u32 s31, $0x12;
	s12 =	sadd.s32 s12, s17;
	s16 =	sshrl.u32 s16, $0x3  }
0x12: {  	[tilespmem:s15+$0x0 ss:$0x81] =	vst.msk $0xffff, v1;
	s13 =	sor.u32 $0x400, s13;
	s12 =	sadd.s32 s16, s12  }
0x13: {  	[hbm4b:s12+s13] =	stream.strided.scatter [tilespmem:s14], [sflag:$0x2], $0x2000, s8, s13, $0x20;
	[tilespmem:$0x8080] =	vst v63  }
.LBB1_5:
0x14: {  	s14 =	sadd.s32 $0x1, s9  }
0x15: {  	s12 =	sadd.s32 $0x1000, s10;
	s16 =	smov.u32 s10;
	p2 =	sgt.s32 s14, $0x31  }
0x16: {  	s16 =	smov.u32 @p2 s12  }
0x17: {  	s14 =	simm.s32 @p2 $0x0;
	p2 =	sgt.s32 s16, $0x3FFF  }
0x18: {  	s16 =	smov.u32 @p2 s2;
	p2 =	sne.s32 s11, s7  }
.Ltmp1:
0x19: {  	p1 =	slt.u32 s11, $0x2;
	(pc) =	sbr.rel @!p2 .LBB1_6-.Ltmp1, $4  }
0x1a: {  	s15 =	simm.s32 @!p1 $0x2  }
0x1b: {  	s13 =	smov.u32 s10;
	p0 =	por !p0, !p0;
	_ =	swait.ge @!p1 [sflag:s15], $0x2000  }
0x1c: {  	s12 =	smov.u32 s9;
	[sflag:s15] =	ssyncset.done @!p1 $0x0;
	s9 =	smov.u32 s14  }
0x1d: {  	s11 =	sadd.s32 $0x1, s11;
	[sflag:s15] =	ssyncadd.s32 @!p1 $0xFFFFE000;
	s10 =	smov.u32 s16  }
.LBB1_1:
0x1e: {  	p1 =	sge.u32 s11, s5  }
0x1f: {  	s14 =	sand.u32 @!p1 $0x1FFFFFF, s9  }
0x20: {  	s15 =	smulhi.u32 @!p1 $0x4924925, s14;
	_ =	sdelay $0x1  }
0x21: {  	s15 =	smul.u32 @!p1 $0x38, s15  }
0x22: {  	s16 =	sxor.u32 @!p1 $0xFFFFFFFF, s11;
	s17 =	smul.u32 @!p1 $0x380, s10  }
0x23: {  	s31 =	sadd.s32 $0xFFFFFFFF, s11;
	s16 =	sshll.u32 @!p1 s16, $0xD;
	s14 =	ssub.s32 @!p1 s14, s15  }
0x24: {  	s15 =	sand.u32 @!p1 $0x2000, s16;
	s16 =	sadd.s32 @!p1 s6, s17;
	s14 =	sshll.u32 @!p1 s14, $0x4  }
0x25: {  	s17 =	simm.s32 @!p1 $0x1C00;
	s14 =	sadd.s32 @!p1 s14, s16;
	s16 =	simm.s32 @!p1 $0x40  }
0x26: {  	[tilespmem:s15], [sflag:$0x1] =	stream.strided.gather @!p1 [hbm4b:s14+s16], $0x2000, s17, s16, $0x38;
	[tilespmem:$0x8080] =	vst v63  }
0x27: {  	p1 =	sge.u32 s31, s5  }
.Ltmp2:
0x28: {  	_ = 	snop;
	(pc) =	sbr.rel @p1 .LBB1_5-.Ltmp2, $1  }
0x29: {  	_ =	sdelay $0x3  }
0x2a: {  	s14 =	simm.s32 $0x1  }
0x2b: {  	_ =	swait.ge [sflag:s4], $0x2000;
	s14 =	simm.s32 @!p0 $0x0  }
0x2c: {  	[sflag:s4] =	ssyncset.done $0x0;
	s15 =	sshll.u32 s14, $0xD  }
0x2d: {  	[sflag:s4] =	ssyncadd.s32 $0xFFFFE000;
	s18 =	sor.u32 $0x20, s15  }
0x2e: {  	s14 =	smul.u32 $0x8100, s14;
	v3 =	vld [tilespmem:s18+$0x10]  }
0x2f: {  	s30 =	sand.u32 $0x1, s11;
	v2 =	vld [tilespmem:s18+$0xFFFFFFF0]  }
0x30: {  	s15 =	smul.u32 $0x8100, s30;
	s14 =	sshrl.u32 s14, $0x2;
	v0 =	vld [tilespmem:s18+$0x0]  }
0x31: {  	v1 =	vld [tilespmem:s18+$0xFFFFFFE0];
	s16 =	sor.u32 $0x4000, s14  }
0x32: {  	s31 =	sshrl.u32 s15, $0x2;
	s15 =	sadd.s32 $0x0, s16  }
0x33: {  	s17 =	simm.s32 $0x4;
	s18 =	sadd.s32 $0x40, s18;
	s14 =	sor.u32 $0x4000, s31;
	[tilespmem:s15+$0x1830 ss:$0x81] =	vst.msk $0xffff, v3  }
.LBB1_3:
0x34: {  	v3 =	vld [tilespmem:s18+$0x10];
	p1 =	sne.s32 s17, $0x1FC;
	[tilespmem:s15+$0x810 ss:$0x81] =	vst.msk $0xffff, v2;
	s19 =	smov.u32 s17;
	s17 =	sadd.s32 $0x4, s17  }
.Ltmp3:
0x35: {  	v2 =	vld [tilespmem:s18+$0xFFFFFFF0];
	[tilespmem:s15+$0x1020 ss:$0x81] =	vst.msk $0xffff, v0;
	(pc) =	sbr.rel @p1 .LBB1_3-.Ltmp3, $4  }
0x36: {  	v0 =	vld [tilespmem:s18+$0x0];
	[tilespmem:s15+$0x0 ss:$0x81] =	vst.msk $0xffff, v1  }
0x37: {  	s15 =	sshra.s32 s19, $0x2;
	v1 =	vld [tilespmem:s18+$0xFFFFFFE0]  }
0x38: {  	s15 =	sadd.s32 s15, s16  }
0x39: {  	s18 =	sadd.s32 $0x40, s18;
	[tilespmem:s15+$0x1830 ss:$0x81] =	vst.msk $0xffff, v3  }
.Ltmp4:
0x3a: {  	_ = 	snop;
	(pc) =	sbr.rel .LBB1_4-.Ltmp4, $1  }
0x3b: {  	_ =	sdelay $0x3  }
.LBB1_6:
0x3c: {  	_ =	sfence.sel $0x180000  }
0x3d: {  	s2 =	simm.s32 $0x1;
	[bflag:$0x0] =	sbarrier.arrive $0xFFFF  }
0x3e: {  	s31 =	simm.s32 $0x2;
	[sflag:s2] =	ssyncpa.u1 $0x1  }
0x3f: {  	[sflag:s31] =	ssyncpa.u1 $0x1  }
0x40: {  	p0 =	sne.s32 s0, $0x0;
	_ =	strace $0x9000004A  }
0x41: {  	s0 =	sadd.s32 @!p0 $0x100000, s1;
	[bflag:$0x2] =	sbarrier.arrive $0xFFFF  }
0x42: {  	[sflag:s0] =	ssyncadd.tile.s32 @!p0 $0x1;
	_ =	shalt  }
.Lfunc_end1:
_tile_overlayer_lowered:
.L_overlay_start_2:
0x43: {  	(tag) =	ssettag $0x2  }
0x44: {  	s0 =	rddreg [dreg:$0x0];
	s2 =	stileid.u32  }
0x45: {  	s1 =	rddreg [dreg:$0x1];
	p0 =	sne.s32 s2, $0x0  }
0x46: {  	s3 =	rddreg [dreg:$0x2];
	[bflag:$0x3] =	sbarrier.arrive $0xFFFF;
	s2 =	simm.s32 @!p0 $0x1C01  }
0x47: {  	[timem:s3], [sflag:s2] =	dma.local @!p0 [hbm:s0], s1  }
0x48: {  	s0 =	simm.s32 @!p0 $0x1  }
0x49: {  	_ =	swait.ge @!p0 [sflag:s0], s1  }
0x4a: {  	s1 =	ssub.s32 @!p0 $0x0, s1;
	[sflag:s0] =	ssyncset.done @!p0 $0x0  }
0x4b: {  	[sflag:s0] =	ssyncadd.s32 @!p0 s1  }
0x4c: {  	[bflag:$0x3] =	sbarrier.arrive $0xFFFF  }
0x4d: {  	_ =	shalt  }

</sc_bundles>
